<compile_context>
chip_gen: v7x
topology: tpu7x:2x2x1
jax: 0.10.2.dev20260603
libtpu: 0.0.44.dev20260713+nightly
codegen_flags: <defaults>
</compile_context>

<pallas_src>
import functools

import jax
import jax.numpy as jnp
from jax import lax
from jax.experimental import pallas as pl
from jax.experimental.pallas import tpu as pltpu
from jax.experimental.pallas import tpu_sc as plsc

N = 10000
D = 128
NC = 2
NS = 16
NW = NC * NS
CH = 128
N_PAD = 10240
ROWS_PER_TILE = N_PAD // NS

@functools.cache
def _mesh():
    return plsc.VectorSubcoreMesh(
        core_axis_name="c", subcore_axis_name="s",
        num_cores=NC, num_subcores=NS)


def _wid():
    return lax.axis_index("s") * NC + lax.axis_index("c")


def _deg_body(steps, dst_hbm, ones_hbm, zeros_hbm, out_hbm, dst_v, ones_v,
              sem, deg_sp):
    s = lax.axis_index("s")
    c = lax.axis_index("c")
    wid = s * NC + c
    pltpu.sync_copy(dst_hbm.at[wid], dst_v)
    pltpu.sync_copy(ones_hbm, ones_v)
    pltpu.sync_copy(zeros_hbm, deg_sp.at[pl.ds(s * ROWS_PER_TILE, ROWS_PER_TILE)])
    plsc.subcore_barrier()

    def step(j, carry):
        pltpu.sync_copy(ones_v, deg_sp.at[dst_v.at[j]], add=True)
        return carry

    lax.fori_loop(0, steps, step, 0)
    plsc.subcore_barrier()
    sl = pl.ds(s * ROWS_PER_TILE, ROWS_PER_TILE)
    pltpu.sync_copy(deg_sp.at[sl], out_hbm.at[c].at[sl])


def _make_deg(steps):
    return pl.kernel(
        functools.partial(_deg_body, steps),
        out_type=jax.ShapeDtypeStruct((NC, N_PAD, D), jnp.float32),
        mesh=_mesh(),
        scratch_types=[
            pltpu.VMEM((steps, CH), jnp.int32),
            pltpu.VMEM((CH, D), jnp.float32),
            pltpu.SemaphoreType.DMA,
            pltpu.VMEM_SHARED((N_PAD, D), jnp.float32),
        ],
    )


def _agg_body(steps, hs_hbm, src_hbm, dst_hbm, zeros_hbm, out_hbm,
              src_v, dst_v, rows_v, gsem, acc_sp):
    s = lax.axis_index("s")
    c = lax.axis_index("c")
    wid = s * NC + c
    pltpu.sync_copy(src_hbm.at[wid], src_v)
    pltpu.sync_copy(dst_hbm.at[wid], dst_v)
    pltpu.sync_copy(zeros_hbm, acc_sp.at[pl.ds(s * ROWS_PER_TILE, ROWS_PER_TILE)])
    plsc.subcore_barrier()

    def step(j, carry):
        pltpu.async_copy(hs_hbm.at[src_v.at[j]], rows_v, gsem).wait()
        pltpu.sync_copy(rows_v, acc_sp.at[dst_v.at[j]], add=True)
        return carry

    lax.fori_loop(0, steps, step, 0)
    plsc.subcore_barrier()
    sl = pl.ds(s * ROWS_PER_TILE, ROWS_PER_TILE)
    pltpu.sync_copy(acc_sp.at[sl], out_hbm.at[c].at[sl])


def _make_agg(steps):
    return pl.kernel(
        functools.partial(_agg_body, steps),
        out_type=jax.ShapeDtypeStruct((NC, N_PAD, D), jnp.float32),
        mesh=_mesh(),
        scratch_types=[
            pltpu.VMEM((steps, CH), jnp.int32),
            pltpu.VMEM((steps, CH), jnp.int32),
            pltpu.VMEM((CH, D), jnp.float32),
            pltpu.SemaphoreType.DMA,
            pltpu.VMEM_SHARED((N_PAD, D), jnp.float32),
        ],
    )


_BLK = 1000


def _dinv_of(deg_ref):
    deg = deg_ref[0, :, 0] + deg_ref[1, :, 0] + 1.0
    return lax.rsqrt(deg)[:, None]


def _tc1_body(x_ref, w_ref, deg_ref, hs_ref):
    hs_ref[...] = jnp.dot(
        x_ref[...], w_ref[...], preferred_element_type=jnp.float32
    ) * _dinv_of(deg_ref)


def _tc2_body(p_ref, hs_ref, deg_ref, w_ref, b_ref, out_ref):
    dinv = _dinv_of(deg_ref)
    t = dinv * (p_ref[0] + p_ref[1] + hs_ref[...]) + b_ref[...]
    t = jnp.maximum(t, 0.0)
    out_ref[...] = jnp.dot(
        t, w_ref[...], preferred_element_type=jnp.float32
    ) * dinv


def _tc3_body(p_ref, hs_ref, deg_ref, b_ref, out_ref):
    dinv = _dinv_of(deg_ref)
    out_ref[...] = dinv * (p_ref[0] + p_ref[1] + hs_ref[...]) + b_ref[...]


_row_spec = pl.BlockSpec((_BLK, D), lambda i: (i, 0))
_full_w = pl.BlockSpec((D, D), lambda i: (0, 0))
_bias_spec = pl.BlockSpec((1, D), lambda i: (0, 0))
_deg_spec = pl.BlockSpec((NC, _BLK, D), lambda i: (0, i, 0))
_part_spec = pl.BlockSpec((NC, _BLK, D), lambda i: (0, i, 0))
_out_rows = jax.ShapeDtypeStruct((N, D), jnp.float32)

_tc1 = pl.pallas_call(
    _tc1_body, grid=(N // _BLK,),
    in_specs=[_row_spec, _full_w, _deg_spec], out_specs=_row_spec,
    out_shape=_out_rows)
_tc2 = pl.pallas_call(
    _tc2_body, grid=(N // _BLK,),
    in_specs=[_part_spec, _row_spec, _deg_spec, _full_w, _bias_spec],
    out_specs=_row_spec, out_shape=_out_rows)
_tc3 = pl.pallas_call(
    _tc3_body, grid=(N // _BLK,),
    in_specs=[_part_spec, _row_spec, _deg_spec, _bias_spec],
    out_specs=_row_spec, out_shape=_out_rows)


@jax.jit
def kernel(x, edge_index, W0, b0, W1, b1):
    e = edge_index.shape[1]
    steps = -(-e // (NW * CH))
    e_pad = steps * NW * CH

    src = jnp.concatenate(
        [edge_index[0], jnp.zeros((e_pad - e,), jnp.int32)]).reshape(NW, steps, CH)
    trash = N + jnp.arange(e_pad - e, dtype=jnp.int32) % (N_PAD - N)
    dst = jnp.concatenate([edge_index[1], trash]).reshape(NW, steps, CH)

    ones_rows = jnp.ones((CH, D), jnp.float32)
    zeros_acg = jnp.zeros((ROWS_PER_TILE, D), jnp.float32)
    b0r = b0.reshape(1, D)
    b1r = b1.reshape(1, D)

    deg_p = _make_deg(steps)(dst, ones_rows, zeros_acg)
    agg = _make_agg(steps)

    hs0 = _tc1(x, W0, deg_p)
    p0 = agg(hs0, src, dst, zeros_acg)
    hs1 = _tc2(p0, hs0, deg_p, W1, b0r)
    p1 = agg(hs1, src, dst, zeros_acg)
    return _tc3(p1, hs1, deg_p, b1r)

# --- scband reference (transcript-rebuilt; emitter-appended) ---
"""Pipeline reference for scband-gcn-75909251990056 (READ-ONLY COPY).

The authoritative reference and input builder live on the scoring server;
editing this copy changes nothing except your own understanding.
"""

import jax, jax.numpy as jnp
import numpy as np

N = 10000
E = 320000
D = 128


def setup_inputs(seed: int = 0) -> dict:
    key = jax.random.key(seed)
    k1, k2, k3, k4, k5, k6 = jax.random.split(key, 6)
    x = jax.random.normal(k1, (N, D), dtype=jnp.float32)
    edge_index = jax.random.randint(k2, (2, E), 0, N, dtype=jnp.int32)
    # Learned parameters for the two GCNConv layers (128 -> 128 -> 128)
    s0 = 1.0 / np.sqrt(D)
    W0 = jax.random.uniform(k3, (D, D), dtype=jnp.float32, minval=-s0, maxval=s0)
    b0 = jnp.zeros((D,), dtype=jnp.float32)
    W1 = jax.random.uniform(k4, (D, D), dtype=jnp.float32, minval=-s0, maxval=s0)
    b1 = jnp.zeros((D,), dtype=jnp.float32)
    return {"x": x, "edge_index": edge_index, "W0": W0, "b0": b0, "W1": W1, "b1": b1}


def _gcn_conv(x, edge_index, W, b):
    # PyG GCNConv with normalize=True: add self-loops, symmetric deg^-1/2 norm
    n = x.shape[0]
    src = edge_index[0]
    dst = edge_index[1]
    loop = jnp.arange(n, dtype=src.dtype)
    src2 = jnp.concatenate([src, loop])
    dst2 = jnp.concatenate([dst, loop])
    ew = jnp.ones(src2.shape[0], dtype=x.dtype)
    deg = jnp.zeros((n,), dtype=x.dtype).at[dst2].add(ew)
    dinv = jnp.where(deg > 0, jax.lax.rsqrt(deg), 0.0)
    norm = dinv[src2] * dinv[dst2]
    h = x @ W
    msg = h[src2] * norm[:, None]
    out = jnp.zeros_like(h).at[dst2].add(msg)
    return out + b


def reference(x, edge_index, W0, b0, W1, b1):
    # n_layers_gcn: conv0 -> ReLU -> conv1 -> Identity (last_layer_activation)
    h = _gcn_conv(x, edge_index, W0, b0)
    h = jax.nn.relu(h)
    h = _gcn_conv(h, edge_index, W1, b1)
    # last_linear=False, final_pool_aggregator=False -> return node embeddings
    return h

if __name__ == "__main__":
    import jax
    _d = setup_inputs()
    print(jax.jit(kernel)(*tuple(_d.values())))

</pallas_src>

<mosaic_0001>
#map = affine_map<(d0, d1) -> (0, 0)>
#map1 = affine_map<(d0, d1) -> (0, 0, 0)>
module attributes {stable_mosaic.version = 14 : i64} {
  func.func @_agg_body(%arg0: i32, %arg1: i32, %arg2: memref<10000x128xf32, #tpu.memory_space<hbm>>, %arg3: memref<32x79x128xi32, #tpu.memory_space<hbm>>, %arg4: memref<32x79x128xi32, #tpu.memory_space<hbm>>, %arg5: memref<640x128xf32, #tpu.memory_space<hbm>>, %arg6: memref<2x10240x128xf32, #tpu.memory_space<hbm>>, %arg7: memref<79x128xi32, #tpu.memory_space<vmem>>, %arg8: memref<79x128xi32, #tpu.memory_space<vmem>>, %arg9: memref<128x128xf32, #tpu.memory_space<vmem>>, %arg10: memref<!tpu.dma_semaphore, #tpu.memory_space<semaphore_mem>>, %arg11: memref<10240x128xf32, #tpu.memory_space<vmem_shared>>) attributes {dimension_semantics = [#tpu.dimension_semantics<core_parallel>, #tpu.dimension_semantics<subcore_parallel>], iteration_bounds = array<i64: 2, 16>, scalar_prefetch = 0 : i64, scratch_operands = 5 : i64, tpu.core_type = #tpu.core_type<sc_vector_subcore>, window_params = [{transform_indices = #map}, {transform_indices = #map1}, {transform_indices = #map1}, {transform_indices = #map}, {transform_indices = #map1}]} {
    %mul3A = arith.constant 2 : i32
    %mul3A_0 = arith.muli %arg1, %mul3A : i32
    %add3A = arith.addi %mul3A_0, %arg0 : i32
    "tpu.region"() ({
      %run_scoped3A = tpu.sem_alloc : memref<!tpu.dma_semaphore, #tpu.memory_space<semaphore_mem>>
      %dma_start3A = arith.constant 0 : i32
      %dma_start3A_11 = arith.constant 0 : i32
      %dma_start3A_12 = tpu.memref_slice %arg3[%add3A, %dma_start3A, %dma_start3A_11] : memref<32x79x128xi32, #tpu.memory_space<hbm>> -> memref<1x79x128xi32, #tpu.memory_space<hbm>>
      %dma_start3A_13 = tpu.memref_squeeze %dma_start3A_12 : memref<1x79x128xi32, #tpu.memory_space<hbm>> -> memref<79x128xi32, #tpu.memory_space<hbm>>
      %dma_start3A_14 = arith.constant 0 : i32
      %dma_start3A_15 = arith.constant 0 : i32
      %dma_start3A_16 = tpu.memref_slice %arg3[%add3A, %dma_start3A_14, %dma_start3A_15] : memref<32x79x128xi32, #tpu.memory_space<hbm>> -> memref<1x79x128xi32, #tpu.memory_space<hbm>>
      %dma_start3A_17 = tpu.memref_squeeze %dma_start3A_16 : memref<1x79x128xi32, #tpu.memory_space<hbm>> -> memref<79x128xi32, #tpu.memory_space<hbm>>
      tpu.enqueue_dma source(%dma_start3A_17 : memref<79x128xi32, #tpu.memory_space<hbm>>) target(%arg7 : memref<79x128xi32, #tpu.memory_space<vmem>>) target_semaphore(%run_scoped3A : memref<!tpu.dma_semaphore, #tpu.memory_space<semaphore_mem>>)
      %dma_wait3A = arith.constant 0 : i32
      %dma_wait3A_18 = arith.constant 0 : i32
      %dma_wait3A_19 = tpu.memref_slice %arg3[%add3A, %dma_wait3A, %dma_wait3A_18] : memref<32x79x128xi32, #tpu.memory_space<hbm>> -> memref<1x79x128xi32, #tpu.memory_space<hbm>>
      %dma_wait3A_20 = tpu.memref_squeeze %dma_wait3A_19 : memref<1x79x128xi32, #tpu.memory_space<hbm>> -> memref<79x128xi32, #tpu.memory_space<hbm>>
      %dma_wait3A_21 = arith.constant 0 : i32
      %dma_wait3A_22 = arith.constant 0 : i32
      %dma_wait3A_23 = tpu.memref_slice %arg3[%add3A, %dma_wait3A_21, %dma_wait3A_22] : memref<32x79x128xi32, #tpu.memory_space<hbm>> -> memref<1x79x128xi32, #tpu.memory_space<hbm>>
      %dma_wait3A_24 = tpu.memref_squeeze %dma_wait3A_23 : memref<1x79x128xi32, #tpu.memory_space<hbm>> -> memref<79x128xi32, #tpu.memory_space<hbm>>
      tpu.wait_dma2 semaphore(%run_scoped3A : memref<!tpu.dma_semaphore, #tpu.memory_space<semaphore_mem>>) src(%dma_wait3A_24 : memref<79x128xi32, #tpu.memory_space<hbm>>) dst(%arg7 : memref<79x128xi32, #tpu.memory_space<vmem>>)
      tpu.yield
    }) : () -> ()
    "tpu.region"() ({
      %run_scoped3A = tpu.sem_alloc : memref<!tpu.dma_semaphore, #tpu.memory_space<semaphore_mem>>
      %dma_start3A = arith.constant 0 : i32
      %dma_start3A_11 = arith.constant 0 : i32
      %dma_start3A_12 = tpu.memref_slice %arg4[%add3A, %dma_start3A, %dma_start3A_11] : memref<32x79x128xi32, #tpu.memory_space<hbm>> -> memref<1x79x128xi32, #tpu.memory_space<hbm>>
      %dma_start3A_13 = tpu.memref_squeeze %dma_start3A_12 : memref<1x79x128xi32, #tpu.memory_space<hbm>> -> memref<79x128xi32, #tpu.memory_space<hbm>>
      %dma_start3A_14 = arith.constant 0 : i32
      %dma_start3A_15 = arith.constant 0 : i32
      %dma_start3A_16 = tpu.memref_slice %arg4[%add3A, %dma_start3A_14, %dma_start3A_15] : memref<32x79x128xi32, #tpu.memory_space<hbm>> -> memref<1x79x128xi32, #tpu.memory_space<hbm>>
      %dma_start3A_17 = tpu.memref_squeeze %dma_start3A_16 : memref<1x79x128xi32, #tpu.memory_space<hbm>> -> memref<79x128xi32, #tpu.memory_space<hbm>>
      tpu.enqueue_dma source(%dma_start3A_17 : memref<79x128xi32, #tpu.memory_space<hbm>>) target(%arg8 : memref<79x128xi32, #tpu.memory_space<vmem>>) target_semaphore(%run_scoped3A : memref<!tpu.dma_semaphore, #tpu.memory_space<semaphore_mem>>)
      %dma_wait3A = arith.constant 0 : i32
      %dma_wait3A_18 = arith.constant 0 : i32
      %dma_wait3A_19 = tpu.memref_slice %arg4[%add3A, %dma_wait3A, %dma_wait3A_18] : memref<32x79x128xi32, #tpu.memory_space<hbm>> -> memref<1x79x128xi32, #tpu.memory_space<hbm>>
      %dma_wait3A_20 = tpu.memref_squeeze %dma_wait3A_19 : memref<1x79x128xi32, #tpu.memory_space<hbm>> -> memref<79x128xi32, #tpu.memory_space<hbm>>
      %dma_wait3A_21 = arith.constant 0 : i32
      %dma_wait3A_22 = arith.constant 0 : i32
      %dma_wait3A_23 = tpu.memref_slice %arg4[%add3A, %dma_wait3A_21, %dma_wait3A_22] : memref<32x79x128xi32, #tpu.memory_space<hbm>> -> memref<1x79x128xi32, #tpu.memory_space<hbm>>
      %dma_wait3A_24 = tpu.memref_squeeze %dma_wait3A_23 : memref<1x79x128xi32, #tpu.memory_space<hbm>> -> memref<79x128xi32, #tpu.memory_space<hbm>>
      tpu.wait_dma2 semaphore(%run_scoped3A : memref<!tpu.dma_semaphore, #tpu.memory_space<semaphore_mem>>) src(%dma_wait3A_24 : memref<79x128xi32, #tpu.memory_space<hbm>>) dst(%arg8 : memref<79x128xi32, #tpu.memory_space<vmem>>)
      tpu.yield
    }) : () -> ()
    %mul3A_1 = arith.constant 640 : i32
    %mul3A_2 = arith.muli %arg1, %mul3A_1 : i32
    "tpu.region"() ({
      %run_scoped3A = tpu.sem_alloc : memref<!tpu.dma_semaphore, #tpu.memory_space<semaphore_mem>>
      %dma_start3A = arith.constant 0 : i32
      %dma_start3A_11 = tpu.memref_slice %arg11[%mul3A_2, %dma_start3A] : memref<10240x128xf32, #tpu.memory_space<vmem_shared>> -> memref<640x128xf32, #tpu.memory_space<vmem_shared>>
      tpu.enqueue_dma source(%arg5 : memref<640x128xf32, #tpu.memory_space<hbm>>) target(%dma_start3A_11 : memref<640x128xf32, #tpu.memory_space<vmem_shared>>) target_semaphore(%run_scoped3A : memref<!tpu.dma_semaphore, #tpu.memory_space<semaphore_mem>>)
      %dma_wait3A = arith.constant 0 : i32
      %dma_wait3A_12 = tpu.memref_slice %arg11[%mul3A_2, %dma_wait3A] : memref<10240x128xf32, #tpu.memory_space<vmem_shared>> -> memref<640x128xf32, #tpu.memory_space<vmem_shared>>
      tpu.wait_dma2 semaphore(%run_scoped3A : memref<!tpu.dma_semaphore, #tpu.memory_space<semaphore_mem>>) src(%arg5 : memref<640x128xf32, #tpu.memory_space<hbm>>) dst(%dma_wait3A_12 : memref<640x128xf32, #tpu.memory_space<vmem_shared>>)
      tpu.yield
    }) : () -> ()
    %barrier3A = arith.constant 0 : index
    tpu.barrier barrier_id(%barrier3A)
    %scan3A = arith.constant 0 : i32
    %scan3A_3 = arith.constant 0 : i32
    %scan3A_4 = arith.constant 79 : i32
    %scan3A_5 = arith.addi %scan3A_3, %scan3A_4 : i32
    %scan3A_6 = arith.constant 1 : i32
    scf.for %scan3A_11 = %scan3A_3 to %scan3A_5 step %scan3A_6  : i32 {
      %dma_start3A = arith.constant 0 : i32
      %dma_start3A_12 = tpu.memref_slice %arg7[%scan3A_11, %dma_start3A] : memref<79x128xi32, #tpu.memory_space<vmem>> -> memref<1x128xi32, #tpu.memory_space<vmem>>
      %dma_start3A_13 = tpu.memref_squeeze %dma_start3A_12 : memref<1x128xi32, #tpu.memory_space<vmem>> -> memref<128xi32, #tpu.memory_space<vmem>>
      %dma_start3A_14 = arith.constant 0 : i32
      %dma_start3A_15 = arith.constant 0 : i32
      %dma_start3A_16 = tpu.memref_slice %arg2[%dma_start3A_14, %dma_start3A_15] : memref<10000x128xf32, #tpu.memory_space<hbm>> -> memref<10000x128xf32, #tpu.memory_space<hbm>>
      tpu.enqueue_indirect_dma source(%dma_start3A_16 : memref<10000x128xf32, #tpu.memory_space<hbm>>) target(%arg9 : memref<128x128xf32, #tpu.memory_space<vmem>>) offsets(%dma_start3A_13 : memref<128xi32, #tpu.memory_space<vmem>>) semaphore(%arg10 : memref<!tpu.dma_semaphore, #tpu.memory_space<semaphore_mem>>)
      %dma_wait3A = arith.constant 0 : i32
      %dma_wait3A_17 = tpu.memref_slice %arg7[%scan3A_11, %dma_wait3A] : memref<79x128xi32, #tpu.memory_space<vmem>> -> memref<1x128xi32, #tpu.memory_space<vmem>>
      %dma_wait3A_18 = tpu.memref_squeeze %dma_wait3A_17 : memref<1x128xi32, #tpu.memory_space<vmem>> -> memref<128xi32, #tpu.memory_space<vmem>>
      %dma_wait3A_19 = arith.constant 0 : i32
      %dma_wait3A_20 = arith.constant 0 : i32
      %dma_wait3A_21 = tpu.memref_slice %arg2[%dma_wait3A_19, %dma_wait3A_20] : memref<10000x128xf32, #tpu.memory_space<hbm>> -> memref<10000x128xf32, #tpu.memory_space<hbm>>
      tpu.wait_indirect_dma semaphore(%arg10 : memref<!tpu.dma_semaphore, #tpu.memory_space<semaphore_mem>>) src(%dma_wait3A_21 : memref<10000x128xf32, #tpu.memory_space<hbm>>) dst(%arg9 : memref<128x128xf32, #tpu.memory_space<vmem>>)
      "tpu.region"() ({
        %run_scoped3A = tpu.sem_alloc : memref<!tpu.dma_semaphore, #tpu.memory_space<semaphore_mem>>
        %dma_start3A_22 = arith.constant 0 : i32
        %dma_start3A_23 = tpu.memref_slice %arg8[%scan3A_11, %dma_start3A_22] : memref<79x128xi32, #tpu.memory_space<vmem>> -> memref<1x128xi32, #tpu.memory_space<vmem>>
        %dma_start3A_24 = tpu.memref_squeeze %dma_start3A_23 : memref<1x128xi32, #tpu.memory_space<vmem>> -> memref<128xi32, #tpu.memory_space<vmem>>
        %dma_start3A_25 = arith.constant 0 : i32
        %dma_start3A_26 = arith.constant 0 : i32
        %dma_start3A_27 = tpu.memref_slice %arg11[%dma_start3A_25, %dma_start3A_26] : memref<10240x128xf32, #tpu.memory_space<vmem_shared>> -> memref<10240x128xf32, #tpu.memory_space<vmem_shared>>
        tpu.enqueue_indirect_dma source(%arg9 : memref<128x128xf32, #tpu.memory_space<vmem>>) target(%dma_start3A_27 : memref<10240x128xf32, #tpu.memory_space<vmem_shared>>) offsets(%dma_start3A_24 : memref<128xi32, #tpu.memory_space<vmem>>) semaphore(%run_scoped3A : memref<!tpu.dma_semaphore, #tpu.memory_space<semaphore_mem>>) {add = true}
        %dma_wait3A_28 = arith.constant 0 : i32
        %dma_wait3A_29 = tpu.memref_slice %arg8[%scan3A_11, %dma_wait3A_28] : memref<79x128xi32, #tpu.memory_space<vmem>> -> memref<1x128xi32, #tpu.memory_space<vmem>>
        %dma_wait3A_30 = tpu.memref_squeeze %dma_wait3A_29 : memref<1x128xi32, #tpu.memory_space<vmem>> -> memref<128xi32, #tpu.memory_space<vmem>>
        %dma_wait3A_31 = arith.constant 0 : i32
        %dma_wait3A_32 = arith.constant 0 : i32
        %dma_wait3A_33 = tpu.memref_slice %arg11[%dma_wait3A_31, %dma_wait3A_32] : memref<10240x128xf32, #tpu.memory_space<vmem_shared>> -> memref<10240x128xf32, #tpu.memory_space<vmem_shared>>
        tpu.wait_indirect_dma semaphore(%run_scoped3A : memref<!tpu.dma_semaphore, #tpu.memory_space<semaphore_mem>>) src(%arg9 : memref<128x128xf32, #tpu.memory_space<vmem>>) dst(%dma_wait3A_33 : memref<10240x128xf32, #tpu.memory_space<vmem_shared>>)
        tpu.yield
      }) : () -> ()
    }
    %scan3A_7 = arith.constant 79 : i32
    %barrier3A_8 = arith.constant 0 : index
    tpu.barrier barrier_id(%barrier3A_8)
    %mul3A_9 = arith.constant 640 : i32
    %mul3A_10 = arith.muli %arg1, %mul3A_9 : i32
    "tpu.region"() ({
      %run_scoped3A = tpu.sem_alloc : memref<!tpu.dma_semaphore, #tpu.memory_space<semaphore_mem>>
      %dma_start3A = arith.constant 0 : i32
      %dma_start3A_11 = arith.constant 0 : i32
      %dma_start3A_12 = tpu.memref_slice %arg6[%arg0, %dma_start3A, %dma_start3A_11] : memref<2x10240x128xf32, #tpu.memory_space<hbm>> -> memref<1x10240x128xf32, #tpu.memory_space<hbm>>
      %dma_start3A_13 = tpu.memref_squeeze %dma_start3A_12 : memref<1x10240x128xf32, #tpu.memory_space<hbm>> -> memref<10240x128xf32, #tpu.memory_space<hbm>>
      %dma_start3A_14 = arith.constant 0 : i32
      %dma_start3A_15 = tpu.memref_slice %dma_start3A_13[%mul3A_10, %dma_start3A_14] : memref<10240x128xf32, #tpu.memory_space<hbm>> -> memref<640x128xf32, #tpu.memory_space<hbm>>
      %dma_start3A_16 = arith.constant 0 : i32
      %dma_start3A_17 = tpu.memref_slice %arg11[%mul3A_10, %dma_start3A_16] : memref<10240x128xf32, #tpu.memory_space<vmem_shared>> -> memref<640x128xf32, #tpu.memory_space<vmem_shared>>
      tpu.enqueue_dma source(%dma_start3A_17 : memref<640x128xf32, #tpu.memory_space<vmem_shared>>) target(%dma_start3A_15 : memref<640x128xf32, #tpu.memory_space<hbm>>) target_semaphore(%run_scoped3A : memref<!tpu.dma_semaphore, #tpu.memory_space<semaphore_mem>>)
      %dma_wait3A = arith.constant 0 : i32
      %dma_wait3A_18 = arith.constant 0 : i32
      %dma_wait3A_19 = tpu.memref_slice %arg6[%arg0, %dma_wait3A, %dma_wait3A_18] : memref<2x10240x128xf32, #tpu.memory_space<hbm>> -> memref<1x10240x128xf32, #tpu.memory_space<hbm>>
      %dma_wait3A_20 = tpu.memref_squeeze %dma_wait3A_19 : memref<1x10240x128xf32, #tpu.memory_space<hbm>> -> memref<10240x128xf32, #tpu.memory_space<hbm>>
      %dma_wait3A_21 = arith.constant 0 : i32
      %dma_wait3A_22 = tpu.memref_slice %dma_wait3A_20[%mul3A_10, %dma_wait3A_21] : memref<10240x128xf32, #tpu.memory_space<hbm>> -> memref<640x128xf32, #tpu.memory_space<hbm>>
      %dma_wait3A_23 = arith.constant 0 : i32
      %dma_wait3A_24 = tpu.memref_slice %arg11[%mul3A_10, %dma_wait3A_23] : memref<10240x128xf32, #tpu.memory_space<vmem_shared>> -> memref<640x128xf32, #tpu.memory_space<vmem_shared>>
      tpu.wait_dma2 semaphore(%run_scoped3A : memref<!tpu.dma_semaphore, #tpu.memory_space<semaphore_mem>>) src(%dma_wait3A_24 : memref<640x128xf32, #tpu.memory_space<vmem_shared>>) dst(%dma_wait3A_22 : memref<640x128xf32, #tpu.memory_space<hbm>>)
      tpu.yield
    }) : () -> ()
    return
  }
}

#map = affine_map<(d0, d1) -> (0, 0, 0)>
#map1 = affine_map<(d0, d1) -> (0, 0)>
module attributes {stable_mosaic.version = 14 : i64} {
  func.func @_deg_body(%arg0: i32, %arg1: i32, %arg2: memref<32x79x128xi32, #tpu.memory_space<hbm>>, %arg3: memref<128x128xf32, #tpu.memory_space<hbm>>, %arg4: memref<640x128xf32, #tpu.memory_space<hbm>>, %arg5: memref<2x10240x128xf32, #tpu.memory_space<hbm>>, %arg6: memref<79x128xi32, #tpu.memory_space<vmem>>, %arg7: memref<128x128xf32, #tpu.memory_space<vmem>>, %arg8: memref<!tpu.dma_semaphore, #tpu.memory_space<semaphore_mem>>, %arg9: memref<10240x128xf32, #tpu.memory_space<vmem_shared>>) attributes {dimension_semantics = [#tpu.dimension_semantics<core_parallel>, #tpu.dimension_semantics<subcore_parallel>], iteration_bounds = array<i64: 2, 16>, scalar_prefetch = 0 : i64, scratch_operands = 4 : i64, tpu.core_type = #tpu.core_type<sc_vector_subcore>, window_params = [{transform_indices = #map}, {transform_indices = #map1}, {transform_indices = #map1}, {transform_indices = #map}]} {
    %mul3A = arith.constant 2 : i32
    %mul3A_0 = arith.muli %arg1, %mul3A : i32
    %add3A = arith.addi %mul3A_0, %arg0 : i32
    "tpu.region"() ({
      %run_scoped3A = tpu.sem_alloc : memref<!tpu.dma_semaphore, #tpu.memory_space<semaphore_mem>>
      %dma_start3A = arith.constant 0 : i32
      %dma_start3A_11 = arith.constant 0 : i32
      %dma_start3A_12 = tpu.memref_slice %arg2[%add3A, %dma_start3A, %dma_start3A_11] : memref<32x79x128xi32, #tpu.memory_space<hbm>> -> memref<1x79x128xi32, #tpu.memory_space<hbm>>
      %dma_start3A_13 = tpu.memref_squeeze %dma_start3A_12 : memref<1x79x128xi32, #tpu.memory_space<hbm>> -> memref<79x128xi32, #tpu.memory_space<hbm>>
      %dma_start3A_14 = arith.constant 0 : i32
      %dma_start3A_15 = arith.constant 0 : i32
      %dma_start3A_16 = tpu.memref_slice %arg2[%add3A, %dma_start3A_14, %dma_start3A_15] : memref<32x79x128xi32, #tpu.memory_space<hbm>> -> memref<1x79x128xi32, #tpu.memory_space<hbm>>
      %dma_start3A_17 = tpu.memref_squeeze %dma_start3A_16 : memref<1x79x128xi32, #tpu.memory_space<hbm>> -> memref<79x128xi32, #tpu.memory_space<hbm>>
      tpu.enqueue_dma source(%dma_start3A_17 : memref<79x128xi32, #tpu.memory_space<hbm>>) target(%arg6 : memref<79x128xi32, #tpu.memory_space<vmem>>) target_semaphore(%run_scoped3A : memref<!tpu.dma_semaphore, #tpu.memory_space<semaphore_mem>>)
      %dma_wait3A = arith.constant 0 : i32
      %dma_wait3A_18 = arith.constant 0 : i32
      %dma_wait3A_19 = tpu.memref_slice %arg2[%add3A, %dma_wait3A, %dma_wait3A_18] : memref<32x79x128xi32, #tpu.memory_space<hbm>> -> memref<1x79x128xi32, #tpu.memory_space<hbm>>
      %dma_wait3A_20 = tpu.memref_squeeze %dma_wait3A_19 : memref<1x79x128xi32, #tpu.memory_space<hbm>> -> memref<79x128xi32, #tpu.memory_space<hbm>>
      %dma_wait3A_21 = arith.constant 0 : i32
      %dma_wait3A_22 = arith.constant 0 : i32
      %dma_wait3A_23 = tpu.memref_slice %arg2[%add3A, %dma_wait3A_21, %dma_wait3A_22] : memref<32x79x128xi32, #tpu.memory_space<hbm>> -> memref<1x79x128xi32, #tpu.memory_space<hbm>>
      %dma_wait3A_24 = tpu.memref_squeeze %dma_wait3A_23 : memref<1x79x128xi32, #tpu.memory_space<hbm>> -> memref<79x128xi32, #tpu.memory_space<hbm>>
      tpu.wait_dma2 semaphore(%run_scoped3A : memref<!tpu.dma_semaphore, #tpu.memory_space<semaphore_mem>>) src(%dma_wait3A_24 : memref<79x128xi32, #tpu.memory_space<hbm>>) dst(%arg6 : memref<79x128xi32, #tpu.memory_space<vmem>>)
      tpu.yield
    }) : () -> ()
    "tpu.region"() ({
      %run_scoped3A = tpu.sem_alloc : memref<!tpu.dma_semaphore, #tpu.memory_space<semaphore_mem>>
      tpu.enqueue_dma source(%arg3 : memref<128x128xf32, #tpu.memory_space<hbm>>) target(%arg7 : memref<128x128xf32, #tpu.memory_space<vmem>>) target_semaphore(%run_scoped3A : memref<!tpu.dma_semaphore, #tpu.memory_space<semaphore_mem>>)
      tpu.wait_dma2 semaphore(%run_scoped3A : memref<!tpu.dma_semaphore, #tpu.memory_space<semaphore_mem>>) src(%arg3 : memref<128x128xf32, #tpu.memory_space<hbm>>) dst(%arg7 : memref<128x128xf32, #tpu.memory_space<vmem>>)
      tpu.yield
    }) : () -> ()
    %mul3A_1 = arith.constant 640 : i32
    %mul3A_2 = arith.muli %arg1, %mul3A_1 : i32
    "tpu.region"() ({
      %run_scoped3A = tpu.sem_alloc : memref<!tpu.dma_semaphore, #tpu.memory_space<semaphore_mem>>
      %dma_start3A = arith.constant 0 : i32
      %dma_start3A_11 = tpu.memref_slice %arg9[%mul3A_2, %dma_start3A] : memref<10240x128xf32, #tpu.memory_space<vmem_shared>> -> memref<640x128xf32, #tpu.memory_space<vmem_shared>>
      tpu.enqueue_dma source(%arg4 : memref<640x128xf32, #tpu.memory_space<hbm>>) target(%dma_start3A_11 : memref<640x128xf32, #tpu.memory_space<vmem_shared>>) target_semaphore(%run_scoped3A : memref<!tpu.dma_semaphore, #tpu.memory_space<semaphore_mem>>)
      %dma_wait3A = arith.constant 0 : i32
      %dma_wait3A_12 = tpu.memref_slice %arg9[%mul3A_2, %dma_wait3A] : memref<10240x128xf32, #tpu.memory_space<vmem_shared>> -> memref<640x128xf32, #tpu.memory_space<vmem_shared>>
      tpu.wait_dma2 semaphore(%run_scoped3A : memref<!tpu.dma_semaphore, #tpu.memory_space<semaphore_mem>>) src(%arg4 : memref<640x128xf32, #tpu.memory_space<hbm>>) dst(%dma_wait3A_12 : memref<640x128xf32, #tpu.memory_space<vmem_shared>>)
      tpu.yield
    }) : () -> ()
    %barrier3A = arith.constant 0 : index
    tpu.barrier barrier_id(%barrier3A)
    %scan3A = arith.constant 0 : i32
    %scan3A_3 = arith.constant 0 : i32
    %scan3A_4 = arith.constant 79 : i32
    %scan3A_5 = arith.addi %scan3A_3, %scan3A_4 : i32
    %scan3A_6 = arith.constant 1 : i32
    scf.for %scan3A_11 = %scan3A_3 to %scan3A_5 step %scan3A_6  : i32 {
      "tpu.region"() ({
        %run_scoped3A = tpu.sem_alloc : memref<!tpu.dma_semaphore, #tpu.memory_space<semaphore_mem>>
        %dma_start3A = arith.constant 0 : i32
        %dma_start3A_12 = tpu.memref_slice %arg6[%scan3A_11, %dma_start3A] : memref<79x128xi32, #tpu.memory_space<vmem>> -> memref<1x128xi32, #tpu.memory_space<vmem>>
        %dma_start3A_13 = tpu.memref_squeeze %dma_start3A_12 : memref<1x128xi32, #tpu.memory_space<vmem>> -> memref<128xi32, #tpu.memory_space<vmem>>
        %dma_start3A_14 = arith.constant 0 : i32
        %dma_start3A_15 = arith.constant 0 : i32
        %dma_start3A_16 = tpu.memref_slice %arg9[%dma_start3A_14, %dma_start3A_15] : memref<10240x128xf32, #tpu.memory_space<vmem_shared>> -> memref<10240x128xf32, #tpu.memory_space<vmem_shared>>
        tpu.enqueue_indirect_dma source(%arg7 : memref<128x128xf32, #tpu.memory_space<vmem>>) target(%dma_start3A_16 : memref<10240x128xf32, #tpu.memory_space<vmem_shared>>) offsets(%dma_start3A_13 : memref<128xi32, #tpu.memory_space<vmem>>) semaphore(%run_scoped3A : memref<!tpu.dma_semaphore, #tpu.memory_space<semaphore_mem>>) {add = true}
        %dma_wait3A = arith.constant 0 : i32
        %dma_wait3A_17 = tpu.memref_slice %arg6[%scan3A_11, %dma_wait3A] : memref<79x128xi32, #tpu.memory_space<vmem>> -> memref<1x128xi32, #tpu.memory_space<vmem>>
        %dma_wait3A_18 = tpu.memref_squeeze %dma_wait3A_17 : memref<1x128xi32, #tpu.memory_space<vmem>> -> memref<128xi32, #tpu.memory_space<vmem>>
        %dma_wait3A_19 = arith.constant 0 : i32
        %dma_wait3A_20 = arith.constant 0 : i32
        %dma_wait3A_21 = tpu.memref_slice %arg9[%dma_wait3A_19, %dma_wait3A_20] : memref<10240x128xf32, #tpu.memory_space<vmem_shared>> -> memref<10240x128xf32, #tpu.memory_space<vmem_shared>>
        tpu.wait_indirect_dma semaphore(%run_scoped3A : memref<!tpu.dma_semaphore, #tpu.memory_space<semaphore_mem>>) src(%arg7 : memref<128x128xf32, #tpu.memory_space<vmem>>) dst(%dma_wait3A_21 : memref<10240x128xf32, #tpu.memory_space<vmem_shared>>)
        tpu.yield
      }) : () -> ()
    }
    %scan3A_7 = arith.constant 79 : i32
    %barrier3A_8 = arith.constant 0 : index
    tpu.barrier barrier_id(%barrier3A_8)
    %mul3A_9 = arith.constant 640 : i32
    %mul3A_10 = arith.muli %arg1, %mul3A_9 : i32
    "tpu.region"() ({
      %run_scoped3A = tpu.sem_alloc : memref<!tpu.dma_semaphore, #tpu.memory_space<semaphore_mem>>
      %dma_start3A = arith.constant 0 : i32
      %dma_start3A_11 = arith.constant 0 : i32
      %dma_start3A_12 = tpu.memref_slice %arg5[%arg0, %dma_start3A, %dma_start3A_11] : memref<2x10240x128xf32, #tpu.memory_space<hbm>> -> memref<1x10240x128xf32, #tpu.memory_space<hbm>>
      %dma_start3A_13 = tpu.memref_squeeze %dma_start3A_12 : memref<1x10240x128xf32, #tpu.memory_space<hbm>> -> memref<10240x128xf32, #tpu.memory_space<hbm>>
      %dma_start3A_14 = arith.constant 0 : i32
      %dma_start3A_15 = tpu.memref_slice %dma_start3A_13[%mul3A_10, %dma_start3A_14] : memref<10240x128xf32, #tpu.memory_space<hbm>> -> memref<640x128xf32, #tpu.memory_space<hbm>>
      %dma_start3A_16 = arith.constant 0 : i32
      %dma_start3A_17 = tpu.memref_slice %arg9[%mul3A_10, %dma_start3A_16] : memref<10240x128xf32, #tpu.memory_space<vmem_shared>> -> memref<640x128xf32, #tpu.memory_space<vmem_shared>>
      tpu.enqueue_dma source(%dma_start3A_17 : memref<640x128xf32, #tpu.memory_space<vmem_shared>>) target(%dma_start3A_15 : memref<640x128xf32, #tpu.memory_space<hbm>>) target_semaphore(%run_scoped3A : memref<!tpu.dma_semaphore, #tpu.memory_space<semaphore_mem>>)
      %dma_wait3A = arith.constant 0 : i32
      %dma_wait3A_18 = arith.constant 0 : i32
      %dma_wait3A_19 = tpu.memref_slice %arg5[%arg0, %dma_wait3A, %dma_wait3A_18] : memref<2x10240x128xf32, #tpu.memory_space<hbm>> -> memref<1x10240x128xf32, #tpu.memory_space<hbm>>
      %dma_wait3A_20 = tpu.memref_squeeze %dma_wait3A_19 : memref<1x10240x128xf32, #tpu.memory_space<hbm>> -> memref<10240x128xf32, #tpu.memory_space<hbm>>
      %dma_wait3A_21 = arith.constant 0 : i32
      %dma_wait3A_22 = tpu.memref_slice %dma_wait3A_20[%mul3A_10, %dma_wait3A_21] : memref<10240x128xf32, #tpu.memory_space<hbm>> -> memref<640x128xf32, #tpu.memory_space<hbm>>
      %dma_wait3A_23 = arith.constant 0 : i32
      %dma_wait3A_24 = tpu.memref_slice %arg9[%mul3A_10, %dma_wait3A_23] : memref<10240x128xf32, #tpu.memory_space<vmem_shared>> -> memref<640x128xf32, #tpu.memory_space<vmem_shared>>
      tpu.wait_dma2 semaphore(%run_scoped3A : memref<!tpu.dma_semaphore, #tpu.memory_space<semaphore_mem>>) src(%dma_wait3A_24 : memref<640x128xf32, #tpu.memory_space<vmem_shared>>) dst(%dma_wait3A_22 : memref<640x128xf32, #tpu.memory_space<hbm>>)
      tpu.yield
    }) : () -> ()
    return
  }
}

#map = affine_map<(d0, d1) -> (0, 0)>
#map1 = affine_map<(d0, d1) -> (0, 0, 0)>
module attributes {stable_mosaic.version = 14 : i64} {
  func.func @_agg_body(%arg0: i32, %arg1: i32, %arg2: memref<10000x128xf32, #tpu.memory_space<hbm>>, %arg3: memref<32x79x128xi32, #tpu.memory_space<hbm>>, %arg4: memref<32x79x128xi32, #tpu.memory_space<hbm>>, %arg5: memref<640x128xf32, #tpu.memory_space<hbm>>, %arg6: memref<2x10240x128xf32, #tpu.memory_space<hbm>>, %arg7: memref<79x128xi32, #tpu.memory_space<vmem>>, %arg8: memref<79x128xi32, #tpu.memory_space<vmem>>, %arg9: memref<128x128xf32, #tpu.memory_space<vmem>>, %arg10: memref<!tpu.dma_semaphore, #tpu.memory_space<semaphore_mem>>, %arg11: memref<10240x128xf32, #tpu.memory_space<vmem_shared>>) attributes {dimension_semantics = [#tpu.dimension_semantics<core_parallel>, #tpu.dimension_semantics<subcore_parallel>], iteration_bounds = array<i64: 2, 16>, scalar_prefetch = 0 : i64, scratch_operands = 5 : i64, tpu.core_type = #tpu.core_type<sc_vector_subcore>, window_params = [{transform_indices = #map}, {transform_indices = #map1}, {transform_indices = #map1}, {transform_indices = #map}, {transform_indices = #map1}]} {
    %mul3A = arith.constant 2 : i32
    %mul3A_0 = arith.muli %arg1, %mul3A : i32
    %add3A = arith.addi %mul3A_0, %arg0 : i32
    "tpu.region"() ({
      %run_scoped3A = tpu.sem_alloc : memref<!tpu.dma_semaphore, #tpu.memory_space<semaphore_mem>>
      %dma_start3A = arith.constant 0 : i32
      %dma_start3A_11 = arith.constant 0 : i32
      %dma_start3A_12 = tpu.memref_slice %arg3[%add3A, %dma_start3A, %dma_start3A_11] : memref<32x79x128xi32, #tpu.memory_space<hbm>> -> memref<1x79x128xi32, #tpu.memory_space<hbm>>
      %dma_start3A_13 = tpu.memref_squeeze %dma_start3A_12 : memref<1x79x128xi32, #tpu.memory_space<hbm>> -> memref<79x128xi32, #tpu.memory_space<hbm>>
      %dma_start3A_14 = arith.constant 0 : i32
      %dma_start3A_15 = arith.constant 0 : i32
      %dma_start3A_16 = tpu.memref_slice %arg3[%add3A, %dma_start3A_14, %dma_start3A_15] : memref<32x79x128xi32, #tpu.memory_space<hbm>> -> memref<1x79x128xi32, #tpu.memory_space<hbm>>
      %dma_start3A_17 = tpu.memref_squeeze %dma_start3A_16 : memref<1x79x128xi32, #tpu.memory_space<hbm>> -> memref<79x128xi32, #tpu.memory_space<hbm>>
      tpu.enqueue_dma source(%dma_start3A_17 : memref<79x128xi32, #tpu.memory_space<hbm>>) target(%arg7 : memref<79x128xi32, #tpu.memory_space<vmem>>) target_semaphore(%run_scoped3A : memref<!tpu.dma_semaphore, #tpu.memory_space<semaphore_mem>>)
      %dma_wait3A = arith.constant 0 : i32
      %dma_wait3A_18 = arith.constant 0 : i32
      %dma_wait3A_19 = tpu.memref_slice %arg3[%add3A, %dma_wait3A, %dma_wait3A_18] : memref<32x79x128xi32, #tpu.memory_space<hbm>> -> memref<1x79x128xi32, #tpu.memory_space<hbm>>
      %dma_wait3A_20 = tpu.memref_squeeze %dma_wait3A_19 : memref<1x79x128xi32, #tpu.memory_space<hbm>> -> memref<79x128xi32, #tpu.memory_space<hbm>>
      %dma_wait3A_21 = arith.constant 0 : i32
      %dma_wait3A_22 = arith.constant 0 : i32
      %dma_wait3A_23 = tpu.memref_slice %arg3[%add3A, %dma_wait3A_21, %dma_wait3A_22] : memref<32x79x128xi32, #tpu.memory_space<hbm>> -> memref<1x79x128xi32, #tpu.memory_space<hbm>>
      %dma_wait3A_24 = tpu.memref_squeeze %dma_wait3A_23 : memref<1x79x128xi32, #tpu.memory_space<hbm>> -> memref<79x128xi32, #tpu.memory_space<hbm>>
      tpu.wait_dma2 semaphore(%run_scoped3A : memref<!tpu.dma_semaphore, #tpu.memory_space<semaphore_mem>>) src(%dma_wait3A_24 : memref<79x128xi32, #tpu.memory_space<hbm>>) dst(%arg7 : memref<79x128xi32, #tpu.memory_space<vmem>>)
      tpu.yield
    }) : () -> ()
    "tpu.region"() ({
      %run_scoped3A = tpu.sem_alloc : memref<!tpu.dma_semaphore, #tpu.memory_space<semaphore_mem>>
      %dma_start3A = arith.constant 0 : i32
      %dma_start3A_11 = arith.constant 0 : i32
      %dma_start3A_12 = tpu.memref_slice %arg4[%add3A, %dma_start3A, %dma_start3A_11] : memref<32x79x128xi32, #tpu.memory_space<hbm>> -> memref<1x79x128xi32, #tpu.memory_space<hbm>>
      %dma_start3A_13 = tpu.memref_squeeze %dma_start3A_12 : memref<1x79x128xi32, #tpu.memory_space<hbm>> -> memref<79x128xi32, #tpu.memory_space<hbm>>
      %dma_start3A_14 = arith.constant 0 : i32
      %dma_start3A_15 = arith.constant 0 : i32
      %dma_start3A_16 = tpu.memref_slice %arg4[%add3A, %dma_start3A_14, %dma_start3A_15] : memref<32x79x128xi32, #tpu.memory_space<hbm>> -> memref<1x79x128xi32, #tpu.memory_space<hbm>>
      %dma_start3A_17 = tpu.memref_squeeze %dma_start3A_16 : memref<1x79x128xi32, #tpu.memory_space<hbm>> -> memref<79x128xi32, #tpu.memory_space<hbm>>
      tpu.enqueue_dma source(%dma_start3A_17 : memref<79x128xi32, #tpu.memory_space<hbm>>) target(%arg8 : memref<79x128xi32, #tpu.memory_space<vmem>>) target_semaphore(%run_scoped3A : memref<!tpu.dma_semaphore, #tpu.memory_space<semaphore_mem>>)
      %dma_wait3A = arith.constant 0 : i32
      %dma_wait3A_18 = arith.constant 0 : i32
      %dma_wait3A_19 = tpu.memref_slice %arg4[%add3A, %dma_wait3A, %dma_wait3A_18] : memref<32x79x128xi32, #tpu.memory_space<hbm>> -> memref<1x79x128xi32, #tpu.memory_space<hbm>>
      %dma_wait3A_20 = tpu.memref_squeeze %dma_wait3A_19 : memref<1x79x128xi32, #tpu.memory_space<hbm>> -> memref<79x128xi32, #tpu.memory_space<hbm>>
      %dma_wait3A_21 = arith.constant 0 : i32
      %dma_wait3A_22 = arith.constant 0 : i32
      %dma_wait3A_23 = tpu.memref_slice %arg4[%add3A, %dma_wait3A_21, %dma_wait3A_22] : memref<32x79x128xi32, #tpu.memory_space<hbm>> -> memref<1x79x128xi32, #tpu.memory_space<hbm>>
      %dma_wait3A_24 = tpu.memref_squeeze %dma_wait3A_23 : memref<1x79x128xi32, #tpu.memory_space<hbm>> -> memref<79x128xi32, #tpu.memory_space<hbm>>
      tpu.wait_dma2 semaphore(%run_scoped3A : memref<!tpu.dma_semaphore, #tpu.memory_space<semaphore_mem>>) src(%dma_wait3A_24 : memref<79x128xi32, #tpu.memory_space<hbm>>) dst(%arg8 : memref<79x128xi32, #tpu.memory_space<vmem>>)
      tpu.yield
    }) : () -> ()
    %mul3A_1 = arith.constant 640 : i32
    %mul3A_2 = arith.muli %arg1, %mul3A_1 : i32
    "tpu.region"() ({
      %run_scoped3A = tpu.sem_alloc : memref<!tpu.dma_semaphore, #tpu.memory_space<semaphore_mem>>
      %dma_start3A = arith.constant 0 : i32
      %dma_start3A_11 = tpu.memref_slice %arg11[%mul3A_2, %dma_start3A] : memref<10240x128xf32, #tpu.memory_space<vmem_shared>> -> memref<640x128xf32, #tpu.memory_space<vmem_shared>>
      tpu.enqueue_dma source(%arg5 : memref<640x128xf32, #tpu.memory_space<hbm>>) target(%dma_start3A_11 : memref<640x128xf32, #tpu.memory_space<vmem_shared>>) target_semaphore(%run_scoped3A : memref<!tpu.dma_semaphore, #tpu.memory_space<semaphore_mem>>)
      %dma_wait3A = arith.constant 0 : i32
      %dma_wait3A_12 = tpu.memref_slice %arg11[%mul3A_2, %dma_wait3A] : memref<10240x128xf32, #tpu.memory_space<vmem_shared>> -> memref<640x128xf32, #tpu.memory_space<vmem_shared>>
      tpu.wait_dma2 semaphore(%run_scoped3A : memref<!tpu.dma_semaphore, #tpu.memory_space<semaphore_mem>>) src(%arg5 : memref<640x128xf32, #tpu.memory_space<hbm>>) dst(%dma_wait3A_12 : memref<640x128xf32, #tpu.memory_space<vmem_shared>>)
      tpu.yield
    }) : () -> ()
    %barrier3A = arith.constant 0 : index
    tpu.barrier barrier_id(%barrier3A)
    %scan3A = arith.constant 0 : i32
    %scan3A_3 = arith.constant 0 : i32
    %scan3A_4 = arith.constant 79 : i32
    %scan3A_5 = arith.addi %scan3A_3, %scan3A_4 : i32
    %scan3A_6 = arith.constant 1 : i32
    scf.for %scan3A_11 = %scan3A_3 to %scan3A_5 step %scan3A_6  : i32 {
      %dma_start3A = arith.constant 0 : i32
      %dma_start3A_12 = tpu.memref_slice %arg7[%scan3A_11, %dma_start3A] : memref<79x128xi32, #tpu.memory_space<vmem>> -> memref<1x128xi32, #tpu.memory_space<vmem>>
      %dma_start3A_13 = tpu.memref_squeeze %dma_start3A_12 : memref<1x128xi32, #tpu.memory_space<vmem>> -> memref<128xi32, #tpu.memory_space<vmem>>
      %dma_start3A_14 = arith.constant 0 : i32
      %dma_start3A_15 = arith.constant 0 : i32
      %dma_start3A_16 = tpu.memref_slice %arg2[%dma_start3A_14, %dma_start3A_15] : memref<10000x128xf32, #tpu.memory_space<hbm>> -> memref<10000x128xf32, #tpu.memory_space<hbm>>
      tpu.enqueue_indirect_dma source(%dma_start3A_16 : memref<10000x128xf32, #tpu.memory_space<hbm>>) target(%arg9 : memref<128x128xf32, #tpu.memory_space<vmem>>) offsets(%dma_start3A_13 : memref<128xi32, #tpu.memory_space<vmem>>) semaphore(%arg10 : memref<!tpu.dma_semaphore, #tpu.memory_space<semaphore_mem>>)
      %dma_wait3A = arith.constant 0 : i32
      %dma_wait3A_17 = tpu.memref_slice %arg7[%scan3A_11, %dma_wait3A] : memref<79x128xi32, #tpu.memory_space<vmem>> -> memref<1x128xi32, #tpu.memory_space<vmem>>
      %dma_wait3A_18 = tpu.memref_squeeze %dma_wait3A_17 : memref<1x128xi32, #tpu.memory_space<vmem>> -> memref<128xi32, #tpu.memory_space<vmem>>
      %dma_wait3A_19 = arith.constant 0 : i32
      %dma_wait3A_20 = arith.constant 0 : i32
      %dma_wait3A_21 = tpu.memref_slice %arg2[%dma_wait3A_19, %dma_wait3A_20] : memref<10000x128xf32, #tpu.memory_space<hbm>> -> memref<10000x128xf32, #tpu.memory_space<hbm>>
      tpu.wait_indirect_dma semaphore(%arg10 : memref<!tpu.dma_semaphore, #tpu.memory_space<semaphore_mem>>) src(%dma_wait3A_21 : memref<10000x128xf32, #tpu.memory_space<hbm>>) dst(%arg9 : memref<128x128xf32, #tpu.memory_space<vmem>>)
      "tpu.region"() ({
        %run_scoped3A = tpu.sem_alloc : memref<!tpu.dma_semaphore, #tpu.memory_space<semaphore_mem>>
        %dma_start3A_22 = arith.constant 0 : i32
        %dma_start3A_23 = tpu.memref_slice %arg8[%scan3A_11, %dma_start3A_22] : memref<79x128xi32, #tpu.memory_space<vmem>> -> memref<1x128xi32, #tpu.memory_space<vmem>>
        %dma_start3A_24 = tpu.memref_squeeze %dma_start3A_23 : memref<1x128xi32, #tpu.memory_space<vmem>> -> memref<128xi32, #tpu.memory_space<vmem>>
        %dma_start3A_25 = arith.constant 0 : i32
        %dma_start3A_26 = arith.constant 0 : i32
        %dma_start3A_27 = tpu.memref_slice %arg11[%dma_start3A_25, %dma_start3A_26] : memref<10240x128xf32, #tpu.memory_space<vmem_shared>> -> memref<10240x128xf32, #tpu.memory_space<vmem_shared>>
        tpu.enqueue_indirect_dma source(%arg9 : memref<128x128xf32, #tpu.memory_space<vmem>>) target(%dma_start3A_27 : memref<10240x128xf32, #tpu.memory_space<vmem_shared>>) offsets(%dma_start3A_24 : memref<128xi32, #tpu.memory_space<vmem>>) semaphore(%run_scoped3A : memref<!tpu.dma_semaphore, #tpu.memory_space<semaphore_mem>>) {add = true}
        %dma_wait3A_28 = arith.constant 0 : i32
        %dma_wait3A_29 = tpu.memref_slice %arg8[%scan3A_11, %dma_wait3A_28] : memref<79x128xi32, #tpu.memory_space<vmem>> -> memref<1x128xi32, #tpu.memory_space<vmem>>
        %dma_wait3A_30 = tpu.memref_squeeze %dma_wait3A_29 : memref<1x128xi32, #tpu.memory_space<vmem>> -> memref<128xi32, #tpu.memory_space<vmem>>
        %dma_wait3A_31 = arith.constant 0 : i32
        %dma_wait3A_32 = arith.constant 0 : i32
        %dma_wait3A_33 = tpu.memref_slice %arg11[%dma_wait3A_31, %dma_wait3A_32] : memref<10240x128xf32, #tpu.memory_space<vmem_shared>> -> memref<10240x128xf32, #tpu.memory_space<vmem_shared>>
        tpu.wait_indirect_dma semaphore(%run_scoped3A : memref<!tpu.dma_semaphore, #tpu.memory_space<semaphore_mem>>) src(%arg9 : memref<128x128xf32, #tpu.memory_space<vmem>>) dst(%dma_wait3A_33 : memref<10240x128xf32, #tpu.memory_space<vmem_shared>>)
        tpu.yield
      }) : () -> ()
    }
    %scan3A_7 = arith.constant 79 : i32
    %barrier3A_8 = arith.constant 0 : index
    tpu.barrier barrier_id(%barrier3A_8)
    %mul3A_9 = arith.constant 640 : i32
    %mul3A_10 = arith.muli %arg1, %mul3A_9 : i32
    "tpu.region"() ({
      %run_scoped3A = tpu.sem_alloc : memref<!tpu.dma_semaphore, #tpu.memory_space<semaphore_mem>>
      %dma_start3A = arith.constant 0 : i32
      %dma_start3A_11 = arith.constant 0 : i32
      %dma_start3A_12 = tpu.memref_slice %arg6[%arg0, %dma_start3A, %dma_start3A_11] : memref<2x10240x128xf32, #tpu.memory_space<hbm>> -> memref<1x10240x128xf32, #tpu.memory_space<hbm>>
      %dma_start3A_13 = tpu.memref_squeeze %dma_start3A_12 : memref<1x10240x128xf32, #tpu.memory_space<hbm>> -> memref<10240x128xf32, #tpu.memory_space<hbm>>
      %dma_start3A_14 = arith.constant 0 : i32
      %dma_start3A_15 = tpu.memref_slice %dma_start3A_13[%mul3A_10, %dma_start3A_14] : memref<10240x128xf32, #tpu.memory_space<hbm>> -> memref<640x128xf32, #tpu.memory_space<hbm>>
      %dma_start3A_16 = arith.constant 0 : i32
      %dma_start3A_17 = tpu.memref_slice %arg11[%mul3A_10, %dma_start3A_16] : memref<10240x128xf32, #tpu.memory_space<vmem_shared>> -> memref<640x128xf32, #tpu.memory_space<vmem_shared>>
      tpu.enqueue_dma source(%dma_start3A_17 : memref<640x128xf32, #tpu.memory_space<vmem_shared>>) target(%dma_start3A_15 : memref<640x128xf32, #tpu.memory_space<hbm>>) target_semaphore(%run_scoped3A : memref<!tpu.dma_semaphore, #tpu.memory_space<semaphore_mem>>)
      %dma_wait3A = arith.constant 0 : i32
      %dma_wait3A_18 = arith.constant 0 : i32
      %dma_wait3A_19 = tpu.memref_slice %arg6[%arg0, %dma_wait3A, %dma_wait3A_18] : memref<2x10240x128xf32, #tpu.memory_space<hbm>> -> memref<1x10240x128xf32, #tpu.memory_space<hbm>>
      %dma_wait3A_20 = tpu.memref_squeeze %dma_wait3A_19 : memref<1x10240x128xf32, #tpu.memory_space<hbm>> -> memref<10240x128xf32, #tpu.memory_space<hbm>>
      %dma_wait3A_21 = arith.constant 0 : i32
      %dma_wait3A_22 = tpu.memref_slice %dma_wait3A_20[%mul3A_10, %dma_wait3A_21] : memref<10240x128xf32, #tpu.memory_space<hbm>> -> memref<640x128xf32, #tpu.memory_space<hbm>>
      %dma_wait3A_23 = arith.constant 0 : i32
      %dma_wait3A_24 = tpu.memref_slice %arg11[%mul3A_10, %dma_wait3A_23] : memref<10240x128xf32, #tpu.memory_space<vmem_shared>> -> memref<640x128xf32, #tpu.memory_space<vmem_shared>>
      tpu.wait_dma2 semaphore(%run_scoped3A : memref<!tpu.dma_semaphore, #tpu.memory_space<semaphore_mem>>) src(%dma_wait3A_24 : memref<640x128xf32, #tpu.memory_space<vmem_shared>>) dst(%dma_wait3A_22 : memref<640x128xf32, #tpu.memory_space<hbm>>)
      tpu.yield
    }) : () -> ()
    return
  }
}

module attributes {stable_mosaic.version = 14 : i64} {
  func.func @_tc2_body(%arg0: i32, %arg1: memref<2x1000x128xf32, #tpu.memory_space<vmem>>, %arg2: memref<1000x128xf32, #tpu.memory_space<vmem>>, %arg3: memref<2x1000x128xf32, #tpu.memory_space<vmem>>, %arg4: memref<128x128xf32, #tpu.memory_space<vmem>>, %arg5: memref<1x128xf32, #tpu.memory_space<vmem>>, %arg6: memref<1000x128xf32, #tpu.memory_space<vmem>>) attributes {dimension_semantics = [#tpu.dimension_semantics<arbitrary>], iteration_bounds = array<i64: 10>, scalar_prefetch = 0 : i64, scratch_operands = 0 : i64, tpu.core_type = #tpu.core_type<tc>, window_params = [{transform_indices = @transform_0, window_bounds = array<i64: 2, 1000, 128>}, {transform_indices = @transform_1, window_bounds = array<i64: 1000, 128>}, {transform_indices = @transform_2, window_bounds = array<i64: 2, 1000, 128>}, {pipeline_mode = #tpu.pipeline_mode<synchronous>, transform_indices = @transform_3, window_bounds = array<i64: 128, 128>}, {pipeline_mode = #tpu.pipeline_mode<synchronous>, transform_indices = @transform_4, window_bounds = array<i64: 1, 128>}, {transform_indices = @transform_5, window_bounds = array<i64: 1000, 128>}]} {
    %get3A = arith.constant 0 : index
    %get3A_0 = arith.constant 0 : index
    %get3A_1 = arith.constant 0 : index
    %get3A_2 = vector.load %arg3[%get3A, %get3A_0, %get3A_1] : memref<2x1000x128xf32, #tpu.memory_space<vmem>>, vector<1x1000x1xf32>
    %get3A_3 = vector.shape_cast %get3A_2 : vector<1x1000x1xf32> to vector<1000xf32>
    %get3A_4 = arith.constant 1 : index
    %get3A_5 = arith.constant 0 : index
    %get3A_6 = arith.constant 0 : index
    %get3A_7 = vector.load %arg3[%get3A_4, %get3A_5, %get3A_6] : memref<2x1000x128xf32, #tpu.memory_space<vmem>>, vector<1x1000x1xf32>
    %get3A_8 = vector.shape_cast %get3A_7 : vector<1x1000x1xf32> to vector<1000xf32>
    %add3A = arith.addf %get3A_3, %get3A_8 : vector<1000xf32>
    %add3A_9 = arith.constant 1.000000e+00 : f32
    %add3A_10 = vector.broadcast %add3A_9 : f32 to vector<1000xf32>
    %add3A_11 = arith.addf %add3A, %add3A_10 : vector<1000xf32>
    %rsqrt3A = math.rsqrt %add3A_11 : vector<1000xf32>
    %broadcast_in_dim3A = vector.shape_cast %rsqrt3A : vector<1000xf32> to vector<1000x1xf32>
    %get3A_12 = arith.constant 0 : index
    %get3A_13 = arith.constant 0 : index
    %get3A_14 = arith.constant 0 : index
    %get3A_15 = vector.load %arg1[%get3A_12, %get3A_13, %get3A_14] : memref<2x1000x128xf32, #tpu.memory_space<vmem>>, vector<1x1000x128xf32>
    %get3A_16 = vector.shape_cast %get3A_15 : vector<1x1000x128xf32> to vector<1000x128xf32>
    %get3A_17 = arith.constant 1 : index
    %get3A_18 = arith.constant 0 : index
    %get3A_19 = arith.constant 0 : index
    %get3A_20 = vector.load %arg1[%get3A_17, %get3A_18, %get3A_19] : memref<2x1000x128xf32, #tpu.memory_space<vmem>>, vector<1x1000x128xf32>
    %get3A_21 = vector.shape_cast %get3A_20 : vector<1x1000x128xf32> to vector<1000x128xf32>
    %add3A_22 = arith.addf %get3A_16, %get3A_21 : vector<1000x128xf32>
    %get3A_23 = arith.constant 0 : index
    %get3A_24 = arith.constant 0 : index
    %get3A_25 = vector.load %arg2[%get3A_23, %get3A_24] : memref<1000x128xf32, #tpu.memory_space<vmem>>, vector<1000x128xf32>
    %add3A_26 = arith.addf %add3A_22, %get3A_25 : vector<1000x128xf32>
    %mul3A = vector.broadcast %broadcast_in_dim3A : vector<1000x1xf32> to vector<1000x128xf32>
    %mul3A_27 = arith.mulf %mul3A, %add3A_26 : vector<1000x128xf32>
    %get3A_28 = arith.constant 0 : index
    %get3A_29 = arith.constant 0 : index
    %get3A_30 = vector.load %arg5[%get3A_28, %get3A_29] : memref<1x128xf32, #tpu.memory_space<vmem>>, vector<1x128xf32>
    %add3A_31 = vector.broadcast %get3A_30 : vector<1x128xf32> to vector<1000x128xf32>
    %add3A_32 = arith.addf %mul3A_27, %add3A_31 : vector<1000x128xf32>
    %max3A = arith.constant 0.000000e+00 : f32
    %max3A_33 = vector.broadcast %max3A : f32 to vector<1000x128xf32>
    %max3A_34 = arith.maximumf %add3A_32, %max3A_33 : vector<1000x128xf32>
    %get3A_35 = arith.constant 0 : index
    %get3A_36 = arith.constant 0 : index
    %get3A_37 = vector.load %arg4[%get3A_35, %get3A_36] : memref<128x128xf32, #tpu.memory_space<vmem>>, vector<128x128xf32>
    %dot_general3A = arith.constant dense<0.000000e+00> : vector<1000x128xf32>
    %dot_general3A_38 = tpu.matmul %max3A_34, %get3A_37, %dot_general3A {dimension_numbers = #tpu.dot_dimension_numbers<[1], [0], [0], [1], [0, 0, 1, 1], [], []>, transpose_lhs_hint = false} : vector<1000x128xf32>, vector<128x128xf32>, vector<1000x128xf32> -> vector<1000x128xf32>
    %mul3A_39 = vector.broadcast %broadcast_in_dim3A : vector<1000x1xf32> to vector<1000x128xf32>
    %mul3A_40 = arith.mulf %dot_general3A_38, %mul3A_39 : vector<1000x128xf32>
    %swap3A = arith.constant 0 : index
    %swap3A_41 = arith.constant 0 : index
    %swap3A_42 = vector.load %arg6[%swap3A, %swap3A_41] : memref<1000x128xf32, #tpu.memory_space<vmem>>, vector<1000x128xf32>
    tpu.vector_store %arg6[%swap3A, %swap3A_41], %mul3A_40 {strides = array<i32>} : memref<1000x128xf32, #tpu.memory_space<vmem>>, vector<1000x128xf32>,
    return
  }
  func.func @transform_0(%arg0: i32) -> (i32, i32, i32) {
    %c0_i32 = arith.constant 0 : i32
    %c0_i32_0 = arith.constant 0 : i32
    %c0_i32_1 = arith.constant 0 : i32
    return %c0_i32, %arg0, %c0_i32_0 : i32, i32, i32
  }
  func.func @transform_1(%arg0: i32) -> (i32, i32) {
    %c0_i32 = arith.constant 0 : i32
    %c0_i32_0 = arith.constant 0 : i32
    return %arg0, %c0_i32 : i32, i32
  }
  func.func @transform_2(%arg0: i32) -> (i32, i32, i32) {
    %c0_i32 = arith.constant 0 : i32
    %c0_i32_0 = arith.constant 0 : i32
    %c0_i32_1 = arith.constant 0 : i32
    return %c0_i32, %arg0, %c0_i32_0 : i32, i32, i32
  }
  func.func @transform_3(%arg0: i32) -> (i32, i32) {
    %c0_i32 = arith.constant 0 : i32
    %c0_i32_0 = arith.constant 0 : i32
    %c0_i32_1 = arith.constant 0 : i32
    return %c0_i32, %c0_i32_0 : i32, i32
  }
  func.func @transform_4(%arg0: i32) -> (i32, i32) {
    %c0_i32 = arith.constant 0 : i32
    %c0_i32_0 = arith.constant 0 : i32
    %c0_i32_1 = arith.constant 0 : i32
    return %c0_i32, %c0_i32_0 : i32, i32
  }
  func.func @transform_5(%arg0: i32) -> (i32, i32) {
    %c0_i32 = arith.constant 0 : i32
    %c0_i32_0 = arith.constant 0 : i32
    return %arg0, %c0_i32 : i32, i32
  }
}

module attributes {stable_mosaic.version = 14 : i64} {
  func.func @_tc1_body(%arg0: i32, %arg1: memref<1000x128xf32, #tpu.memory_space<vmem>>, %arg2: memref<128x128xf32, #tpu.memory_space<vmem>>, %arg3: memref<2x1000x128xf32, #tpu.memory_space<vmem>>, %arg4: memref<1000x128xf32, #tpu.memory_space<vmem>>) attributes {dimension_semantics = [#tpu.dimension_semantics<arbitrary>], iteration_bounds = array<i64: 10>, scalar_prefetch = 0 : i64, scratch_operands = 0 : i64, tpu.core_type = #tpu.core_type<tc>, window_params = [{transform_indices = @transform_0, window_bounds = array<i64: 1000, 128>}, {pipeline_mode = #tpu.pipeline_mode<synchronous>, transform_indices = @transform_1, window_bounds = array<i64: 128, 128>}, {transform_indices = @transform_2, window_bounds = array<i64: 2, 1000, 128>}, {transform_indices = @transform_3, window_bounds = array<i64: 1000, 128>}]} {
    %get3A = arith.constant 0 : index
    %get3A_0 = arith.constant 0 : index
    %get3A_1 = vector.load %arg1[%get3A, %get3A_0] : memref<1000x128xf32, #tpu.memory_space<vmem>>, vector<1000x128xf32>
    %get3A_2 = arith.constant 0 : index
    %get3A_3 = arith.constant 0 : index
    %get3A_4 = vector.load %arg2[%get3A_2, %get3A_3] : memref<128x128xf32, #tpu.memory_space<vmem>>, vector<128x128xf32>
    %dot_general3A = arith.constant dense<0.000000e+00> : vector<1000x128xf32>
    %dot_general3A_5 = tpu.matmul %get3A_1, %get3A_4, %dot_general3A {dimension_numbers = #tpu.dot_dimension_numbers<[1], [0], [0], [1], [0, 0, 1, 1], [], []>, transpose_lhs_hint = false} : vector<1000x128xf32>, vector<128x128xf32>, vector<1000x128xf32> -> vector<1000x128xf32>
    %get3A_6 = arith.constant 0 : index
    %get3A_7 = arith.constant 0 : index
    %get3A_8 = arith.constant 0 : index
    %get3A_9 = vector.load %arg3[%get3A_6, %get3A_7, %get3A_8] : memref<2x1000x128xf32, #tpu.memory_space<vmem>>, vector<1x1000x1xf32>
    %get3A_10 = vector.shape_cast %get3A_9 : vector<1x1000x1xf32> to vector<1000xf32>
    %get3A_11 = arith.constant 1 : index
    %get3A_12 = arith.constant 0 : index
    %get3A_13 = arith.constant 0 : index
    %get3A_14 = vector.load %arg3[%get3A_11, %get3A_12, %get3A_13] : memref<2x1000x128xf32, #tpu.memory_space<vmem>>, vector<1x1000x1xf32>
    %get3A_15 = vector.shape_cast %get3A_14 : vector<1x1000x1xf32> to vector<1000xf32>
    %add3A = arith.addf %get3A_10, %get3A_15 : vector<1000xf32>
    %add3A_16 = arith.constant 1.000000e+00 : f32
    %add3A_17 = vector.broadcast %add3A_16 : f32 to vector<1000xf32>
    %add3A_18 = arith.addf %add3A, %add3A_17 : vector<1000xf32>
    %rsqrt3A = math.rsqrt %add3A_18 : vector<1000xf32>
    %broadcast_in_dim3A = vector.shape_cast %rsqrt3A : vector<1000xf32> to vector<1000x1xf32>
    %mul3A = vector.broadcast %broadcast_in_dim3A : vector<1000x1xf32> to vector<1000x128xf32>
    %mul3A_19 = arith.mulf %dot_general3A_5, %mul3A : vector<1000x128xf32>
    %swap3A = arith.constant 0 : index
    %swap3A_20 = arith.constant 0 : index
    %swap3A_21 = vector.load %arg4[%swap3A, %swap3A_20] : memref<1000x128xf32, #tpu.memory_space<vmem>>, vector<1000x128xf32>
    tpu.vector_store %arg4[%swap3A, %swap3A_20], %mul3A_19 {strides = array<i32>} : memref<1000x128xf32, #tpu.memory_space<vmem>>, vector<1000x128xf32>,
    return
  }
  func.func @transform_0(%arg0: i32) -> (i32, i32) {
    %c0_i32 = arith.constant 0 : i32
    %c0_i32_0 = arith.constant 0 : i32
    return %arg0, %c0_i32 : i32, i32
  }
  func.func @transform_1(%arg0: i32) -> (i32, i32) {
    %c0_i32 = arith.constant 0 : i32
    %c0_i32_0 = arith.constant 0 : i32
    %c0_i32_1 = arith.constant 0 : i32
    return %c0_i32, %c0_i32_0 : i32, i32
  }
  func.func @transform_2(%arg0: i32) -> (i32, i32, i32) {
    %c0_i32 = arith.constant 0 : i32
    %c0_i32_0 = arith.constant 0 : i32
    %c0_i32_1 = arith.constant 0 : i32
    return %c0_i32, %arg0, %c0_i32_0 : i32, i32, i32
  }
  func.func @transform_3(%arg0: i32) -> (i32, i32) {
    %c0_i32 = arith.constant 0 : i32
    %c0_i32_0 = arith.constant 0 : i32
    return %arg0, %c0_i32 : i32, i32
  }
}

module attributes {stable_mosaic.version = 14 : i64} {
  func.func @_tc3_body(%arg0: i32, %arg1: memref<2x1000x128xf32, #tpu.memory_space<vmem>>, %arg2: memref<1000x128xf32, #tpu.memory_space<vmem>>, %arg3: memref<2x1000x128xf32, #tpu.memory_space<vmem>>, %arg4: memref<1x128xf32, #tpu.memory_space<vmem>>, %arg5: memref<1000x128xf32, #tpu.memory_space<vmem>>) attributes {dimension_semantics = [#tpu.dimension_semantics<arbitrary>], iteration_bounds = array<i64: 10>, scalar_prefetch = 0 : i64, scratch_operands = 0 : i64, tpu.core_type = #tpu.core_type<tc>, window_params = [{transform_indices = @transform_0, window_bounds = array<i64: 2, 1000, 128>}, {transform_indices = @transform_1, window_bounds = array<i64: 1000, 128>}, {transform_indices = @transform_2, window_bounds = array<i64: 2, 1000, 128>}, {pipeline_mode = #tpu.pipeline_mode<synchronous>, transform_indices = @transform_3, window_bounds = array<i64: 1, 128>}, {transform_indices = @transform_4, window_bounds = array<i64: 1000, 128>}]} {
    %get3A = arith.constant 0 : index
    %get3A_0 = arith.constant 0 : index
    %get3A_1 = arith.constant 0 : index
    %get3A_2 = vector.load %arg3[%get3A, %get3A_0, %get3A_1] : memref<2x1000x128xf32, #tpu.memory_space<vmem>>, vector<1x1000x1xf32>
    %get3A_3 = vector.shape_cast %get3A_2 : vector<1x1000x1xf32> to vector<1000xf32>
    %get3A_4 = arith.constant 1 : index
    %get3A_5 = arith.constant 0 : index
    %get3A_6 = arith.constant 0 : index
    %get3A_7 = vector.load %arg3[%get3A_4, %get3A_5, %get3A_6] : memref<2x1000x128xf32, #tpu.memory_space<vmem>>, vector<1x1000x1xf32>
    %get3A_8 = vector.shape_cast %get3A_7 : vector<1x1000x1xf32> to vector<1000xf32>
    %add3A = arith.addf %get3A_3, %get3A_8 : vector<1000xf32>
    %add3A_9 = arith.constant 1.000000e+00 : f32
    %add3A_10 = vector.broadcast %add3A_9 : f32 to vector<1000xf32>
    %add3A_11 = arith.addf %add3A, %add3A_10 : vector<1000xf32>
    %rsqrt3A = math.rsqrt %add3A_11 : vector<1000xf32>
    %broadcast_in_dim3A = vector.shape_cast %rsqrt3A : vector<1000xf32> to vector<1000x1xf32>
    %get3A_12 = arith.constant 0 : index
    %get3A_13 = arith.constant 0 : index
    %get3A_14 = arith.constant 0 : index
    %get3A_15 = vector.load %arg1[%get3A_12, %get3A_13, %get3A_14] : memref<2x1000x128xf32, #tpu.memory_space<vmem>>, vector<1x1000x128xf32>
    %get3A_16 = vector.shape_cast %get3A_15 : vector<1x1000x128xf32> to vector<1000x128xf32>
    %get3A_17 = arith.constant 1 : index
    %get3A_18 = arith.constant 0 : index
    %get3A_19 = arith.constant 0 : index
    %get3A_20 = vector.load %arg1[%get3A_17, %get3A_18, %get3A_19] : memref<2x1000x128xf32, #tpu.memory_space<vmem>>, vector<1x1000x128xf32>
    %get3A_21 = vector.shape_cast %get3A_20 : vector<1x1000x128xf32> to vector<1000x128xf32>
    %add3A_22 = arith.addf %get3A_16, %get3A_21 : vector<1000x128xf32>
    %get3A_23 = arith.constant 0 : index
    %get3A_24 = arith.constant 0 : index
    %get3A_25 = vector.load %arg2[%get3A_23, %get3A_24] : memref<1000x128xf32, #tpu.memory_space<vmem>>, vector<1000x128xf32>
    %add3A_26 = arith.addf %add3A_22, %get3A_25 : vector<1000x128xf32>
    %mul3A = vector.broadcast %broadcast_in_dim3A : vector<1000x1xf32> to vector<1000x128xf32>
    %mul3A_27 = arith.mulf %mul3A, %add3A_26 : vector<1000x128xf32>
    %get3A_28 = arith.constant 0 : index
    %get3A_29 = arith.constant 0 : index
    %get3A_30 = vector.load %arg4[%get3A_28, %get3A_29] : memref<1x128xf32, #tpu.memory_space<vmem>>, vector<1x128xf32>
    %add3A_31 = vector.broadcast %get3A_30 : vector<1x128xf32> to vector<1000x128xf32>
    %add3A_32 = arith.addf %mul3A_27, %add3A_31 : vector<1000x128xf32>
    %swap3A = arith.constant 0 : index
    %swap3A_33 = arith.constant 0 : index
    %swap3A_34 = vector.load %arg5[%swap3A, %swap3A_33] : memref<1000x128xf32, #tpu.memory_space<vmem>>, vector<1000x128xf32>
    tpu.vector_store %arg5[%swap3A, %swap3A_33], %add3A_32 {strides = array<i32>} : memref<1000x128xf32, #tpu.memory_space<vmem>>, vector<1000x128xf32>,
    return
  }
  func.func @transform_0(%arg0: i32) -> (i32, i32, i32) {
    %c0_i32 = arith.constant 0 : i32
    %c0_i32_0 = arith.constant 0 : i32
    %c0_i32_1 = arith.constant 0 : i32
    return %c0_i32, %arg0, %c0_i32_0 : i32, i32, i32
  }
  func.func @transform_1(%arg0: i32) -> (i32, i32) {
    %c0_i32 = arith.constant 0 : i32
    %c0_i32_0 = arith.constant 0 : i32
    return %arg0, %c0_i32 : i32, i32
  }
  func.func @transform_2(%arg0: i32) -> (i32, i32, i32) {
    %c0_i32 = arith.constant 0 : i32
    %c0_i32_0 = arith.constant 0 : i32
    %c0_i32_1 = arith.constant 0 : i32
    return %c0_i32, %arg0, %c0_i32_0 : i32, i32, i32
  }
  func.func @transform_3(%arg0: i32) -> (i32, i32) {
    %c0_i32 = arith.constant 0 : i32
    %c0_i32_0 = arith.constant 0 : i32
    %c0_i32_1 = arith.constant 0 : i32
    return %c0_i32, %c0_i32_0 : i32, i32
  }
  func.func @transform_4(%arg0: i32) -> (i32, i32) {
    %c0_i32 = arith.constant 0 : i32
    %c0_i32_0 = arith.constant 0 : i32
    return %arg0, %c0_i32 : i32, i32
  }
}

</mosaic_0001>

<sc_bundles>
// kernel: kernel.11.cloned.1.call-start
scs
__scs_entry_jumppad:
0x0: {  	(pc) =	sbr.rel $0x88, $3  }
0x1: {  	(tag) =	ssettag $0x0;
	lr =	simm.s32 $0x1  }
0x2: {  	[smem:$0x3F9B] =	sst lr;
	_ =	strace $0xD0000000  }
0x3: {  	_ = 	snop  }
0x4: {  	_ = 	snop  }
0x5: {  	_ = 	snop  }
0x6: {  	_ = 	snop  }
0x7: {  	_ = 	snop  }
__scs_overlays_trampoline_lowered:
0x8: {  	[smem:$0x3FAA] =	sst s0  }
0x9: {  	[smem:$0x3FAB] =	sst s1  }
0xa: {  	[smem:$0x3FAC] =	sst s2  }
0xb: {  	[smem:$0x3FAD] =	sst s3  }
0xc: {  	[smem:$0x3FAE] =	sst s4  }
0xd: {  	[smem:$0x3FAF] =	sst s5  }
0xe: {  	[smem:$0x3FB0] =	sst s6  }
0xf: {  	[smem:$0x3FB1] =	sst s7  }
0x10: {  	[smem:$0x3FB2] =	sst s8  }
0x11: {  	[smem:$0x3FB3] =	sst s9;
	s0 =	simm.s32 @!p0 $0x0  }
0x12: {  	s1 =	sld [smem:$0x3F99];
	s0 =	simm.s32 @p0 $0x1  }
0x13: {  	[smem:$0x3FB4] =	sst s0;
	s0 =	simm.s32 @!p1 $0x0  }
0x14: {  	s2 =	sld [smem:$0x3F98];
	s0 =	simm.s32 @p1 $0x1  }
0x15: {  	[smem:$0x3FB5] =	sst s0;
	s0 =	simm.s32 @!p2 $0x0  }
0x16: {  	s3 =	sld [smem:$0x3FDB];
	s0 =	simm.s32 @p2 $0x1  }
0x17: {  	s4 =	simm.s32 $0x1BF5;
	[smem:$0x3FB7] =	sst s0  }
0x18: {  	s0 =	sld [smem:$0x3F9A];
	_ =	swait.ge [sflag:s4], $0x0  }
0x19: {  	s7 =	sld [smem:$0x3F9B]  }
0x1a: {  	s8 =	sadd.s32 $0xFFFFE003, lr  }
0x1b: {  	s9 =	sadd.s32 $0xFFFFFEF7, lr;
	s5 =	simm.s32 $0xFFFFFFFF;
	p2 =	slt.u32 s8, $0xFFFFF086  }
0x1c: {  	p1 =	slt.u32 s9, $0xF7A;
	s5 =	simm.s32 @!p2 $0x0  }
0x1d: {  	s5 =	simm.s32 @p1 $0x1;
	p0 =	seq.s32 s7, s2  }
0x1e: {  	s7 =	smul.u32 @!p0 $0xF7A, s2;
	p2 =	seq.s32 @!p0 s5, $0x0  }
0x1f: {  	s9 =	smul.u32 $0xF7A, s1;
	s8 =	simm.s32 @!p0 $0x1BF5;
	p2 =	por !p2, p0  }
0x20: {  	[sflag:s8] =	ssyncset.s32 @!p0 $0xFFFFF086;
	s6 =	sadd.s32 @!p0 s3, s7;
	s7 =	simm.s32 @!p0 $0x108  }
0x21: {  	s3 =	sadd.s32 s3, s9;
	s6 =	sadd.s32 @!p0 $0x88, s6;
	s7 =	simm.s32 @p2 $0x1082  }
0x22: {  	[simem:s7], [sflag:s8] =	dma.local @!p0 [hbm:s6], $0xF7A  }
0x23: {  	s9 =	sor.u32 $0xD0000000, s2;
	s6 =	simm.s32 $0x108;
	_ =	swait.ge @!p0 [sflag:s8], $0x0  }
0x24: {  	s3 =	sadd.s32 $0x88, s3;
	s6 =	simm.s32 @!p1 $0x1082;
	[sflag:s4] =	ssyncset.s32 $0xFFFFF086  }
0x25: {  	[simem:s6], [sflag:s4] =	dma.local [hbm:s3], $0xF7A  }
0x26: {  	[smem:$0x3F9B] =	sst s1;
	(tag) =	ssettag s2;
	_ =	strace s9  }
0x27: {  	s1 =	sld [smem:$0x3FAB]  }
0x28: {  	s2 =	sld [smem:$0x3FAC]  }
0x29: {  	s4 =	sld [smem:$0x3FAE]  }
0x2a: {  	p0 =	seq.s32 s5, $0x0;
	s5 =	sld [smem:$0x3FAF]  }
0x2b: {  	s6 =	sld [smem:$0x3FB0]  }
0x2c: {  	s7 =	sld [smem:$0x3FB1]  }
0x2d: {  	s3 =	simm.s32 $0x108;
	s8 =	sld [smem:$0x3FB2]  }
0x2e: {  	s3 =	simm.s32 @!p0 $0x1082;
	s9 =	sld [smem:$0x3FB3]  }
0x2f: {  	lr =	sadd.s32 s0, s3;
	s0 =	sld [smem:$0x3FAA]  }
0x30: {  	s3 =	sld [smem:$0x3FAD]  }
0x31: {  	[smem:$0x3FB6] =	sst s10  }
0x32: {  	s10 =	sld [smem:$0x3FB4];
	_ =	sdelay $0x3  }
0x33: {  	p0 =	seq.s32 s10, $0x1;
	s10 =	sld [smem:$0x3FB6];
	_ =	sdelay $0x3  }
0x34: {  	[smem:$0x3FB6] =	sst s10  }
0x35: {  	s10 =	sld [smem:$0x3FB5];
	_ =	sdelay $0x3  }
0x36: {  	p1 =	seq.s32 s10, $0x1;
	s10 =	sld [smem:$0x3FB6];
	_ =	sdelay $0x3  }
0x37: {  	[smem:$0x3FB6] =	sst s10  }
0x38: {  	s10 =	sld [smem:$0x3FB7]  }
0x39: {  	_ = 	snop;
	(pc) =	sbr.ind lr, $3  }
0x3a: {  	_ = 	snop  }
0x3b: {  	_ = 	snop  }
0x3c: {  	p2 =	seq.s32 s10, $0x1;
	s10 =	sld [smem:$0x3FB6]  }
0x3d: {  	_ =	shalt  }
0x3e: {  	_ =	shalt  }
0x3f: {  	_ =	shalt  }
0x40: {  	_ =	shalt  }
0x41: {  	_ =	shalt  }
0x42: {  	_ =	shalt  }
0x43: {  	_ =	shalt  }
0x44: {  	_ =	shalt  }
0x45: {  	_ =	shalt  }
0x46: {  	_ =	shalt  }
0x47: {  	_ =	shalt  }
0x48: {  	_ =	shalt  }
0x49: {  	_ =	shalt  }
0x4a: {  	_ =	shalt  }
0x4b: {  	_ =	shalt  }
0x4c: {  	_ =	shalt  }
0x4d: {  	_ =	shalt  }
0x4e: {  	_ =	shalt  }
0x4f: {  	_ =	shalt  }
0x50: {  	_ =	shalt  }
0x51: {  	_ =	shalt  }
0x52: {  	_ =	shalt  }
0x53: {  	_ =	shalt  }
0x54: {  	_ =	shalt  }
0x55: {  	_ =	shalt  }
0x56: {  	_ =	shalt  }
0x57: {  	_ =	shalt  }
0x58: {  	_ =	shalt  }
0x59: {  	_ =	shalt  }
0x5a: {  	_ =	shalt  }
0x5b: {  	_ =	shalt  }
0x5c: {  	_ =	shalt  }
0x5d: {  	_ =	shalt  }
0x5e: {  	_ =	shalt  }
0x5f: {  	_ =	shalt  }
0x60: {  	_ =	shalt  }
0x61: {  	_ =	shalt  }
0x62: {  	_ =	shalt  }
0x63: {  	_ =	shalt  }
0x64: {  	_ =	shalt  }
0x65: {  	_ =	shalt  }
0x66: {  	_ =	shalt  }
0x67: {  	_ =	shalt  }
0x68: {  	_ =	shalt  }
0x69: {  	_ =	shalt  }
0x6a: {  	_ =	shalt  }
0x6b: {  	_ =	shalt  }
0x6c: {  	_ =	shalt  }
0x6d: {  	_ =	shalt  }
0x6e: {  	_ =	shalt  }
0x6f: {  	_ =	shalt  }
0x70: {  	_ =	shalt  }
0x71: {  	_ =	shalt  }
0x72: {  	_ =	shalt  }
0x73: {  	_ =	shalt  }
0x74: {  	_ =	shalt  }
0x75: {  	_ =	shalt  }
0x76: {  	_ =	shalt  }
0x77: {  	_ =	shalt  }
0x78: {  	_ =	shalt  }
0x79: {  	_ =	shalt  }
0x7a: {  	_ =	shalt  }
0x7b: {  	_ =	shalt  }
0x7c: {  	_ =	shalt  }
0x7d: {  	_ =	shalt  }
0x7e: {  	_ =	shalt  }
0x7f: {  	_ =	shalt  }
0x80: {  	_ =	shalt  }
0x81: {  	_ =	shalt  }
0x82: {  	_ =	shalt  }
0x83: {  	_ =	shalt  }
0x84: {  	_ =	shalt  }
0x85: {  	_ =	shalt  }
0x86: {  	_ =	shalt  }
0x87: {  	_ =	shalt  }
.Lfunc_end0:
.L_simem_size_0:
called_computation.1_lowered:
.L_overlay_start_0:
0x88: {  	s2 =	sld [smem:$0x3FD9]  }
0x89: {  	s3 =	sld [smem:$0x3FFE];
	_ =	sdelay $0x1  }
0x8a: {  	s1 =	srdreg.scid  }
0x8b: {  	s0 =	sand.u32 $0x1, s1  }
0x8c: {  	s17 =	sshll.u32 s0, $0xA;
	s2 =	sadd.s32 s3, s2  }
0x8d: {  	s2 =	sadd.s32 s2, s17  }
0x8e: {  	[smem:$0x3FC2] =	sst s2  }
0x8f: {  	_ = 	snop  }
0x90: {  	s2 =	sld [smem:$0x3FD0];
	(tm) =	ssettm $0x1  }
0x91: {  	s18 =	sld [smem:$0x3FFB];
	_ =	sdelay $0x3  }
0x92: {  	_ =	strace s18  }
0x93: {  	s3 =	sld [smem:$0x3FFC];
	_ =	sdelay $0x3  }
0x94: {  	_ =	strace s3  }
0x95: {  	s3 =	sld [smem:$0x3FFD];
	_ =	sdelay $0x3  }
0x96: {  	_ =	strace s3  }
0x97: {  	_ =	strace $0x8FFFFFFF  }
0x98: {  	s19 =	sld [smem:$0x3FDB];
	_ =	sdelay $0x1  }
0x99: {  	s4 =	simm.s32 $_scs_section_size  }
0x9a: {  	s5 =	simm.s32 $_size__tile_overlayer_lowered;
	s6 =	simm.s32 $_tile_overlayer_lowered  }
0x9b: {  	s22 =	simm.s32 $0x1BFF;
	s21 =	sshll.u32 s6, $0x1;
	s3 =	sadd.s32 s4, s19  }
0x9c: {  	s7 =	simm.s32 $0x0;
	s20 =	sshll.u32 s5, $0x1;
	s5 =	sadd.s32 s21, s3  }
0x9d: {  	[timem:s7], [sflag:s22] =	dma.local [hbm:s5], s20  }
0x9e: {  	_ =	swait.ge [sflag:s22], s20  }
0x9f: {  	s4 =	ssub.s32 $0x0, s20;
	[sflag:s22] =	ssyncset.done $0x0  }
0xa0: {  	[sflag:s22] =	ssyncadd.s32 s4;
	_ =	sdelay $0x1  }
0xa1: {  	s23 =	simm.s32 $0x1B8B  }
0xa2: {  	_ =	swait.ge [sflag:s23], $0x1  }
0xa3: {  	[sflag:s23] =	ssyncset.done $0x0  }
0xa4: {  	s25 =	simm.s32 $0x1B8E;
	s24 =	sld [smem:$0x3FFE];
	[sflag:s23] =	ssyncadd.s32 $0xFFFFFFFF  }
0xa5: {  	s26 =	simm.s32 $execute0_lowered;
	[smem:$0x3FD2] =	sst s25  }
0xa6: {  	s5 =	sshll.u32 s26, $0x1;
	_ =	strace $0x80000049;
	[dreg:$0x1] =	wrdreg $0xFFFFFFFF  }
0xa7: {  	s28 =	simm.s32 $_size_execute0_lowered;
	s3 =	sadd.s32 s3, s5;
	[dreg:$0x0] =	wrdreg $0x0  }
0xa8: {  	s5 =	sshll.u32 s28, $0x1;
	[dreg:$0x2] =	wrdreg s3  }
0xa9: {  	[dreg:$0x3] =	wrdreg s5  }
0xaa: {  	[dreg:$0x4] =	wrdreg $0xC0  }
0xab: {  	_ =	task [dreg:s7], $0x5FFFF  }
0xac: {  	[dreg:$0x1] =	wrdreg $0xFFFFFFFF  }
0xad: {  	[dreg:$0x0] =	wrdreg $0x60  }
0xae: {  	[dreg:$0x2] =	wrdreg s2  }
0xaf: {  	[dreg:$0x3] =	wrdreg s24  }
0xb0: {  	[dreg:$0x4] =	wrdreg $0x90000  }
0xb1: {  	[dreg:$0x5] =	wrdreg $0x9  }
0xb2: {  	_ =	task.clear_ibuf [dreg:s7], $0x6FFFF;
	_ =	strace $0x90000049  }
0xb3: {  	s29 =	simm.s32 $0x9;
	_ =	strace $0x8000004B  }
0xb4: {  	_ =	swait.ge [sflag:s29], $0x1  }
0xb5: {  	[sflag:s29] =	ssyncadd.s32 $0xFFFFFFFF  }
0xb6: {  	_ =	strace $0x9000004B  }
0xb7: {  	_ =	sfence  }
0xb8: {  	s30 =	sld [smem:$0x0];
	_ =	sdelay $0x2  }
0xb9: {  	s31 =	sshll.u32 s1, $0xD;
	s1 =	sshrl.u32 s1, $0x2  }
0xba: {  	s3 =	sand.u32 $0x4000, s31;
	s1 =	sadd.s32 s1, s30  }
0xbb: {  	s0 =	sor.u32 s3, s0;
	s1 =	sshll.u32 s1, $0x11  }
0xbc: {  	s0 =	sor.u32 s1, s0  }
0xbd: {  	s0 =	sadd.s32 $0x8F2B, s0  }
0xbe: {  	[sflag:s0] =	ssyncadd.remote.s32 $0x1  }
0xbf: {  	_ =	sfence.sel $0xFFFF  }
0xc0: {  	[dreg:$0x0] =	wrdreg $0xFFFFFFFF;
	(pc) =	sbr.abs _section_cstart, $3  }
0xc1: {  	[dreg:$0x1] =	wrdreg $0xFFFFFFFF  }
0xc2: {  	_ =	task.clear_ibuf [dreg:s7], $0x2FFFF;
	_ =	strace $0x9FFFFFFF  }
0xc3: {  	(tm) =	ssettm $0x7FFFFFFF  }
tec
execute0_lowered:
.L_overlay_start_1:
0x0: {  	(tag) =	ssettag $0x1  }
0x1: {  	s1 =	rddreg [dreg:$0x0]  }
0x2: {  	s6 =	rddreg [dreg:$0x1];
	s2 =	srdreg.scid  }
0x3: {  	s0 =	stileid.u32;
	s3 =	rddreg [dreg:$0x2]  }
0x4: {  	s4 =	simm.s32 $0x0;
	s13 =	simm.s32 $0x80;
	s14 =	simm.s32 $0x5000  }
0x5: {  	s15 =	simm.s32 $0x1;
	s5 =	sand.u32 $0x1, s2;
	s2 =	rddreg [dreg:$0x3]  }
0x6: {  	s7 =	sshll.u32 s0, $0x1;
	[smem:$0x7FF] =	sst s4;
	s10 =	smul.u32 $0x50000, s0  }
0x7: {  	s17 =	smul.u32 $0x2800, s0;
	s11 =	sshll.u32 s0, $0x6;
	s7 =	sor.u32 s5, s7  }
0x8: {  	_ =	strace $0x8000004A;
	s8 =	smul.u32 $0x28000, s5;
	s9 =	ssub.s32 $0x2, s5  }
0x9: {  	s5 =	sadd.s32 $0xC200, s6;
	s11 =	sor.u32 $0x1C02, s11;
	s7 =	smul.u32 $0x500, s7  }
0xa: {  	s31 =	sshrl.u32 s9, $0x1;
	s10 =	sshrl.u32 s10, $0x2;
	s8 =	sadd.s32 s8, s6  }
0xb: {  	s9 =	ssub.s32 s9, s31;
	s12 =	sadd.s32 s10, s3;
	s10 =	simm.s32 $0x2800  }
0xc: {  	s7 =	sadd.s32 s7, s6;
	s16 =	sadd.s32 $0x68A00, s8;
	s8 =	smax.u32 s9, $0x1  }
0xd: {  	s9 =	simm.s32 $0x2;
	s12 =	sshrl.u32 s12, $0x3;
	s6 =	sadd.s32 $0x5EA00, s7  }
0xe: {  	s7 =	sadd.s32 $0x2200, s7;
	s16 =	sadd.s32 s17, s16;
	s17 =	simm.s32 $0x0  }
.LBB2_1:
0xf: {  	[tilespmem:s4], [sflag:$0x2] =	stream.linear.gather [hbm4b:s6+s4], $0x2780, $0x38;
	[tilespmem:$0x1D000] =	vst v63  }
0x10: {  	_ =	swait.ge [sflag:s9], $0x2780  }
0x11: {  	[sflag:s9] =	ssyncset.done $0x0  }
0x12: {  	[sflag:s9] =	ssyncadd.s32 $0xFFFFD880  }
0x13: {  	[tilespmem:s10], [sflag:$0x2] =	stream.linear.gather [hbm4b:s7+s4], $0x2780, $0x38;
	[tilespmem:$0x1D000] =	vst v63  }
0x14: {  	_ =	swait.ge [sflag:s9], $0x2780  }
0x15: {  	[sflag:s9] =	ssyncset.done $0x0  }
0x16: {  	[sflag:s9] =	ssyncadd.s32 $0xFFFFD880  }
0x17: {  	[spmem:s12], [sflag:s11] =	dma.local [hbm:s5], $0x2800  }
0x18: {  	_ =	swait.ge [sflag:s9], $0x2800  }
0x19: {  	[sflag:s9] =	ssyncset.done $0x0  }
0x1a: {  	[sflag:s9] =	ssyncadd.s32 $0xFFFFD800  }
0x1b: {  	s18 =	simm.s32 $0x0;
	[bflag:$0x0] =	sbarrier.arrive $0xFFFF  }
0x1c: {  	[tilespmem:s14], [sflag:$0x1] =	stream.indirect.gather [hbm4b:s1+s13], $0x80, s18, s13, $0xb8;
	[tilespmem:$0x1D000] =	vst v63  }
0x1d: {  	_ =	swait.ge [sflag:s15], $0x4000  }
0x1e: {  	[sflag:s15] =	ssyncset.done $0x0  }
0x1f: {  	s31 =	simm.s32 $0x2800;
	[sflag:s15] =	ssyncadd.s32 $0xFFFFC000  }
0x20: {  	[spmem:s3] =	stream.indirect.scatter.add.f32 [tilespmem:s14], [sflag:$0x2], $0x80, s31, s13, $0xb8;
	[tilespmem:$0x1D000] =	vst v63  }
0x21: {  	_ =	swait.ge [sflag:s9], $0x4000  }
0x22: {  	s19 =	simm.s32 $0x400;
	s18 =	simm.s32 $0x200;
	[sflag:s9] =	ssyncset.done $0x0  }
.LBB2_2:
0x23: {  	s20 =	sshra.s32 s18, $0x2  }
0x24: {  	[sflag:s9] =	ssyncadd.s32 $0xFFFFC000;
	s18 =	smov.u32 s19;
	s21 =	sadd.s32 $0x200, s19  }
0x25: {  	[tilespmem:s14], [sflag:$0x1] =	stream.indirect.gather [hbm4b:s1+s13], $0x80, s20, s13, $0xb8;
	[tilespmem:$0x1D000] =	vst v63  }
0x26: {  	p0 =	sne.s32 s19, $0x9C00;
	_ =	swait.ge [sflag:s15], $0x4000  }
.Ltmp0:
0x27: {  	[sflag:s15] =	ssyncset.done $0x0;
	(pc) =	sbr.rel @p0 .LBB2_2-.Ltmp0, $4  }
0x28: {  	s19 =	sadd.s32 $0x2800, s20;
	[sflag:s15] =	ssyncadd.s32 $0xFFFFC000  }
0x29: {  	[spmem:s3] =	stream.indirect.scatter.add.f32 [tilespmem:s14], [sflag:$0x2], $0x80, s19, s13, $0xb8;
	[tilespmem:$0x1D000] =	vst v63  }
0x2a: {  	_ =	swait.ge [sflag:s9], $0x4000  }
0x2b: {  	s19 =	smov.u32 s21;
	[sflag:s9] =	ssyncset.done $0x0  }
0x2c: {  	s18 =	sshra.s32 s18, $0x2;
	[sflag:s9] =	ssyncadd.s32 $0xFFFFC000  }
0x2d: {  	[tilespmem:s14], [sflag:$0x1] =	stream.indirect.gather [hbm4b:s1+s13], $0x80, s18, s13, $0xb8;
	[tilespmem:$0x1D000] =	vst v63  }
0x2e: {  	_ =	swait.ge [sflag:s15], $0x4000  }
0x2f: {  	[sflag:s15] =	ssyncset.done $0x0  }
0x30: {  	s18 =	sadd.s32 $0x2800, s18;
	[sflag:s15] =	ssyncadd.s32 $0xFFFFC000  }
0x31: {  	[spmem:s3] =	stream.indirect.scatter.add.f32 [tilespmem:s14], [sflag:$0x2], $0x80, s18, s13, $0xb8;
	[tilespmem:$0x1D000] =	vst v63  }
0x32: {  	_ =	swait.ge [sflag:s9], $0x4000  }
0x33: {  	s17 =	sadd.s32 $0x1, s17;
	[sflag:s9] =	ssyncset.done $0x0  }
0x34: {  	p0 =	sne.s32 s17, s8;
	[sflag:s9] =	ssyncadd.s32 $0xFFFFC000  }
.Ltmp1:
0x35: {  	[bflag:$0x0] =	sbarrier.arrive $0xFFFF;
	(pc) =	sbr.rel @p0 .LBB2_1-.Ltmp1, $4  }
0x36: {  	[hbm:s16], [sflag:s11] =	dma.local [spmem:s12], $0x2800  }
0x37: {  	_ =	swait.ge [sflag:s9], $0x2800  }
0x38: {  	[sflag:s9] =	ssyncset.done $0x0  }
0x39: {  	[sflag:s9] =	ssyncadd.s32 $0xFFFFD800  }
0x3a: {  	_ =	sfence.sel $0x180000  }
0x3b: {  	[bflag:$0x0] =	sbarrier.arrive $0xFFFF  }
0x3c: {  	p0 =	sne.s32 s0, $0x0;
	_ =	strace $0x9000004A  }
0x3d: {  	s0 =	sadd.s32 @!p0 $0x100000, s2;
	[bflag:$0x2] =	sbarrier.arrive $0xFFFF  }
0x3e: {  	[sflag:s0] =	ssyncadd.tile.s32 @!p0 $0x1;
	_ =	shalt  }
.Lfunc_end2:
_tile_overlayer_lowered:
.L_overlay_start_2:
0x3f: {  	(tag) =	ssettag $0x2  }
0x40: {  	s0 =	rddreg [dreg:$0x0];
	s2 =	stileid.u32  }
0x41: {  	s1 =	rddreg [dreg:$0x1];
	p0 =	sne.s32 s2, $0x0  }
0x42: {  	s3 =	rddreg [dreg:$0x2];
	[bflag:$0x3] =	sbarrier.arrive $0xFFFF;
	s2 =	simm.s32 @!p0 $0x1C02  }
0x43: {  	[timem:s3], [sflag:s2] =	dma.local @!p0 [hbm:s0], s1  }
0x44: {  	s0 =	simm.s32 @!p0 $0x2  }
0x45: {  	_ =	swait.ge @!p0 [sflag:s0], s1  }
0x46: {  	s1 =	ssub.s32 @!p0 $0x0, s1;
	[sflag:s0] =	ssyncset.done @!p0 $0x0  }
0x47: {  	[sflag:s0] =	ssyncadd.s32 @!p0 s1  }
0x48: {  	[bflag:$0x3] =	sbarrier.arrive $0xFFFF  }
0x49: {  	_ =	shalt  }

// kernel: kernel.14.cloned.1.call-start
scs
__scs_entry_jumppad:
0x0: {  	(pc) =	sbr.rel $0x88, $3  }
0x1: {  	(tag) =	ssettag $0x0;
	lr =	simm.s32 $0x1  }
0x2: {  	[smem:$0x3F9B] =	sst lr;
	_ =	strace $0xD0000000  }
0x3: {  	_ = 	snop  }
0x4: {  	_ = 	snop  }
0x5: {  	_ = 	snop  }
0x6: {  	_ = 	snop  }
0x7: {  	_ = 	snop  }
__scs_overlays_trampoline_lowered:
0x8: {  	[smem:$0x3FAA] =	sst s0  }
0x9: {  	[smem:$0x3FAB] =	sst s1  }
0xa: {  	[smem:$0x3FAC] =	sst s2  }
0xb: {  	[smem:$0x3FAD] =	sst s3  }
0xc: {  	[smem:$0x3FAE] =	sst s4  }
0xd: {  	[smem:$0x3FAF] =	sst s5  }
0xe: {  	[smem:$0x3FB0] =	sst s6  }
0xf: {  	[smem:$0x3FB1] =	sst s7  }
0x10: {  	[smem:$0x3FB2] =	sst s8  }
0x11: {  	[smem:$0x3FB3] =	sst s9;
	s0 =	simm.s32 @!p0 $0x0  }
0x12: {  	s1 =	sld [smem:$0x3F99];
	s0 =	simm.s32 @p0 $0x1  }
0x13: {  	[smem:$0x3FB4] =	sst s0;
	s0 =	simm.s32 @!p1 $0x0  }
0x14: {  	s2 =	sld [smem:$0x3F98];
	s0 =	simm.s32 @p1 $0x1  }
0x15: {  	[smem:$0x3FB5] =	sst s0;
	s0 =	simm.s32 @!p2 $0x0  }
0x16: {  	s3 =	sld [smem:$0x3FDB];
	s0 =	simm.s32 @p2 $0x1  }
0x17: {  	s4 =	simm.s32 $0x1BF5;
	[smem:$0x3FB7] =	sst s0  }
0x18: {  	s0 =	sld [smem:$0x3F9A];
	_ =	swait.ge [sflag:s4], $0x0  }
0x19: {  	s7 =	sld [smem:$0x3F9B]  }
0x1a: {  	s8 =	sadd.s32 $0xFFFFE003, lr  }
0x1b: {  	s9 =	sadd.s32 $0xFFFFFEF7, lr;
	s5 =	simm.s32 $0xFFFFFFFF;
	p2 =	slt.u32 s8, $0xFFFFF086  }
0x1c: {  	p1 =	slt.u32 s9, $0xF7A;
	s5 =	simm.s32 @!p2 $0x0  }
0x1d: {  	s5 =	simm.s32 @p1 $0x1;
	p0 =	seq.s32 s7, s2  }
0x1e: {  	s7 =	smul.u32 @!p0 $0xF7A, s2;
	p2 =	seq.s32 @!p0 s5, $0x0  }
0x1f: {  	s9 =	smul.u32 $0xF7A, s1;
	s8 =	simm.s32 @!p0 $0x1BF5;
	p2 =	por !p2, p0  }
0x20: {  	[sflag:s8] =	ssyncset.s32 @!p0 $0xFFFFF086;
	s6 =	sadd.s32 @!p0 s3, s7;
	s7 =	simm.s32 @!p0 $0x108  }
0x21: {  	s3 =	sadd.s32 s3, s9;
	s6 =	sadd.s32 @!p0 $0x88, s6;
	s7 =	simm.s32 @p2 $0x1082  }
0x22: {  	[simem:s7], [sflag:s8] =	dma.local @!p0 [hbm:s6], $0xF7A  }
0x23: {  	s9 =	sor.u32 $0xD0000000, s2;
	s6 =	simm.s32 $0x108;
	_ =	swait.ge @!p0 [sflag:s8], $0x0  }
0x24: {  	s3 =	sadd.s32 $0x88, s3;
	s6 =	simm.s32 @!p1 $0x1082;
	[sflag:s4] =	ssyncset.s32 $0xFFFFF086  }
0x25: {  	[simem:s6], [sflag:s4] =	dma.local [hbm:s3], $0xF7A  }
0x26: {  	[smem:$0x3F9B] =	sst s1;
	(tag) =	ssettag s2;
	_ =	strace s9  }
0x27: {  	s1 =	sld [smem:$0x3FAB]  }
0x28: {  	s2 =	sld [smem:$0x3FAC]  }
0x29: {  	s4 =	sld [smem:$0x3FAE]  }
0x2a: {  	p0 =	seq.s32 s5, $0x0;
	s5 =	sld [smem:$0x3FAF]  }
0x2b: {  	s6 =	sld [smem:$0x3FB0]  }
0x2c: {  	s7 =	sld [smem:$0x3FB1]  }
0x2d: {  	s3 =	simm.s32 $0x108;
	s8 =	sld [smem:$0x3FB2]  }
0x2e: {  	s3 =	simm.s32 @!p0 $0x1082;
	s9 =	sld [smem:$0x3FB3]  }
0x2f: {  	lr =	sadd.s32 s0, s3;
	s0 =	sld [smem:$0x3FAA]  }
0x30: {  	s3 =	sld [smem:$0x3FAD]  }
0x31: {  	[smem:$0x3FB6] =	sst s10  }
0x32: {  	s10 =	sld [smem:$0x3FB4];
	_ =	sdelay $0x3  }
0x33: {  	p0 =	seq.s32 s10, $0x1;
	s10 =	sld [smem:$0x3FB6];
	_ =	sdelay $0x3  }
0x34: {  	[smem:$0x3FB6] =	sst s10  }
0x35: {  	s10 =	sld [smem:$0x3FB5];
	_ =	sdelay $0x3  }
0x36: {  	p1 =	seq.s32 s10, $0x1;
	s10 =	sld [smem:$0x3FB6];
	_ =	sdelay $0x3  }
0x37: {  	[smem:$0x3FB6] =	sst s10  }
0x38: {  	s10 =	sld [smem:$0x3FB7]  }
0x39: {  	_ = 	snop;
	(pc) =	sbr.ind lr, $3  }
0x3a: {  	_ = 	snop  }
0x3b: {  	_ = 	snop  }
0x3c: {  	p2 =	seq.s32 s10, $0x1;
	s10 =	sld [smem:$0x3FB6]  }
0x3d: {  	_ =	shalt  }
0x3e: {  	_ =	shalt  }
0x3f: {  	_ =	shalt  }
0x40: {  	_ =	shalt  }
0x41: {  	_ =	shalt  }
0x42: {  	_ =	shalt  }
0x43: {  	_ =	shalt  }
0x44: {  	_ =	shalt  }
0x45: {  	_ =	shalt  }
0x46: {  	_ =	shalt  }
0x47: {  	_ =	shalt  }
0x48: {  	_ =	shalt  }
0x49: {  	_ =	shalt  }
0x4a: {  	_ =	shalt  }
0x4b: {  	_ =	shalt  }
0x4c: {  	_ =	shalt  }
0x4d: {  	_ =	shalt  }
0x4e: {  	_ =	shalt  }
0x4f: {  	_ =	shalt  }
0x50: {  	_ =	shalt  }
0x51: {  	_ =	shalt  }
0x52: {  	_ =	shalt  }
0x53: {  	_ =	shalt  }
0x54: {  	_ =	shalt  }
0x55: {  	_ =	shalt  }
0x56: {  	_ =	shalt  }
0x57: {  	_ =	shalt  }
0x58: {  	_ =	shalt  }
0x59: {  	_ =	shalt  }
0x5a: {  	_ =	shalt  }
0x5b: {  	_ =	shalt  }
0x5c: {  	_ =	shalt  }
0x5d: {  	_ =	shalt  }
0x5e: {  	_ =	shalt  }
0x5f: {  	_ =	shalt  }
0x60: {  	_ =	shalt  }
0x61: {  	_ =	shalt  }
0x62: {  	_ =	shalt  }
0x63: {  	_ =	shalt  }
0x64: {  	_ =	shalt  }
0x65: {  	_ =	shalt  }
0x66: {  	_ =	shalt  }
0x67: {  	_ =	shalt  }
0x68: {  	_ =	shalt  }
0x69: {  	_ =	shalt  }
0x6a: {  	_ =	shalt  }
0x6b: {  	_ =	shalt  }
0x6c: {  	_ =	shalt  }
0x6d: {  	_ =	shalt  }
0x6e: {  	_ =	shalt  }
0x6f: {  	_ =	shalt  }
0x70: {  	_ =	shalt  }
0x71: {  	_ =	shalt  }
0x72: {  	_ =	shalt  }
0x73: {  	_ =	shalt  }
0x74: {  	_ =	shalt  }
0x75: {  	_ =	shalt  }
0x76: {  	_ =	shalt  }
0x77: {  	_ =	shalt  }
0x78: {  	_ =	shalt  }
0x79: {  	_ =	shalt  }
0x7a: {  	_ =	shalt  }
0x7b: {  	_ =	shalt  }
0x7c: {  	_ =	shalt  }
0x7d: {  	_ =	shalt  }
0x7e: {  	_ =	shalt  }
0x7f: {  	_ =	shalt  }
0x80: {  	_ =	shalt  }
0x81: {  	_ =	shalt  }
0x82: {  	_ =	shalt  }
0x83: {  	_ =	shalt  }
0x84: {  	_ =	shalt  }
0x85: {  	_ =	shalt  }
0x86: {  	_ =	shalt  }
0x87: {  	_ =	shalt  }
.Lfunc_end0:
.L_simem_size_0:
called_computation.2_lowered:
.L_overlay_start_0:
0x88: {  	s2 =	sld [smem:$0x3FD9]  }
0x89: {  	s3 =	sld [smem:$0x3FFE];
	_ =	sdelay $0x1  }
0x8a: {  	s1 =	srdreg.scid  }
0x8b: {  	s0 =	sand.u32 $0x1, s1  }
0x8c: {  	s17 =	sshll.u32 s0, $0xA;
	s2 =	sadd.s32 s3, s2  }
0x8d: {  	s2 =	sadd.s32 s2, s17  }
0x8e: {  	[smem:$0x3FC2] =	sst s2  }
0x8f: {  	_ = 	snop  }
0x90: {  	s2 =	sld [smem:$0x3FD0];
	(tm) =	ssettm $0x1  }
0x91: {  	s18 =	sld [smem:$0x3FFB];
	_ =	sdelay $0x3  }
0x92: {  	_ =	strace s18  }
0x93: {  	s3 =	sld [smem:$0x3FFC];
	_ =	sdelay $0x3  }
0x94: {  	_ =	strace s3  }
0x95: {  	s3 =	sld [smem:$0x3FFD];
	_ =	sdelay $0x3  }
0x96: {  	_ =	strace s3  }
0x97: {  	_ =	strace $0x8FFFFFFF  }
0x98: {  	s19 =	sld [smem:$0x3FDB];
	_ =	sdelay $0x1  }
0x99: {  	s4 =	simm.s32 $_scs_section_size  }
0x9a: {  	s5 =	simm.s32 $_size__tile_overlayer_lowered;
	s6 =	simm.s32 $_tile_overlayer_lowered  }
0x9b: {  	s22 =	simm.s32 $0x1BFF;
	s21 =	sshll.u32 s6, $0x1;
	s3 =	sadd.s32 s4, s19  }
0x9c: {  	s7 =	simm.s32 $0x0;
	s20 =	sshll.u32 s5, $0x1;
	s5 =	sadd.s32 s21, s3  }
0x9d: {  	[timem:s7], [sflag:s22] =	dma.local [hbm:s5], s20  }
0x9e: {  	_ =	swait.ge [sflag:s22], s20  }
0x9f: {  	s4 =	ssub.s32 $0x0, s20;
	[sflag:s22] =	ssyncset.done $0x0  }
0xa0: {  	[sflag:s22] =	ssyncadd.s32 s4;
	_ =	sdelay $0x1  }
0xa1: {  	s23 =	simm.s32 $0x1B8B  }
0xa2: {  	_ =	swait.ge [sflag:s23], $0x1  }
0xa3: {  	[sflag:s23] =	ssyncset.done $0x0  }
0xa4: {  	s25 =	simm.s32 $0x1B8E;
	s24 =	sld [smem:$0x3FFE];
	[sflag:s23] =	ssyncadd.s32 $0xFFFFFFFF  }
0xa5: {  	s26 =	simm.s32 $execute0_lowered;
	[smem:$0x3FD2] =	sst s25  }
0xa6: {  	s5 =	sshll.u32 s26, $0x1;
	_ =	strace $0x8000004C;
	[dreg:$0x1] =	wrdreg $0xFFFFFFFF  }
0xa7: {  	s28 =	simm.s32 $_size_execute0_lowered;
	s3 =	sadd.s32 s3, s5;
	[dreg:$0x0] =	wrdreg $0x0  }
0xa8: {  	s5 =	sshll.u32 s28, $0x1;
	[dreg:$0x2] =	wrdreg s3  }
0xa9: {  	[dreg:$0x3] =	wrdreg s5  }
0xaa: {  	[dreg:$0x4] =	wrdreg $0xC0  }
0xab: {  	_ =	task [dreg:s7], $0x5FFFF  }
0xac: {  	[dreg:$0x1] =	wrdreg $0xFFFFFFFF  }
0xad: {  	[dreg:$0x0] =	wrdreg $0x60  }
0xae: {  	[dreg:$0x2] =	wrdreg s2  }
0xaf: {  	[dreg:$0x3] =	wrdreg s24  }
0xb0: {  	[dreg:$0x4] =	wrdreg $0x90000  }
0xb1: {  	[dreg:$0x5] =	wrdreg $0x9  }
0xb2: {  	_ =	task.clear_ibuf [dreg:s7], $0x6FFFF;
	_ =	strace $0x9000004C  }
0xb3: {  	s29 =	simm.s32 $0x9;
	_ =	strace $0x8000004E  }
0xb4: {  	_ =	swait.ge [sflag:s29], $0x1  }
0xb5: {  	[sflag:s29] =	ssyncadd.s32 $0xFFFFFFFF  }
0xb6: {  	_ =	strace $0x9000004E  }
0xb7: {  	_ =	sfence  }
0xb8: {  	s30 =	sld [smem:$0x0];
	_ =	sdelay $0x2  }
0xb9: {  	s31 =	sshll.u32 s1, $0xD;
	s1 =	sshrl.u32 s1, $0x2  }
0xba: {  	s3 =	sand.u32 $0x4000, s31;
	s1 =	sadd.s32 s1, s30  }
0xbb: {  	s0 =	sor.u32 s3, s0;
	s1 =	sshll.u32 s1, $0x11  }
0xbc: {  	s0 =	sor.u32 s1, s0  }
0xbd: {  	s0 =	sadd.s32 $0x8F2B, s0  }
0xbe: {  	[sflag:s0] =	ssyncadd.remote.s32 $0x1  }
0xbf: {  	_ =	sfence.sel $0xFFFF  }
0xc0: {  	[dreg:$0x0] =	wrdreg $0xFFFFFFFF;
	(pc) =	sbr.abs _section_cstart, $3  }
0xc1: {  	[dreg:$0x1] =	wrdreg $0xFFFFFFFF  }
0xc2: {  	_ =	task.clear_ibuf [dreg:s7], $0x2FFFF;
	_ =	strace $0x9FFFFFFF  }
0xc3: {  	(tm) =	ssettm $0x7FFFFFFF  }
tec
execute0_lowered:
.L_overlay_start_1:
0x0: {  	(tag) =	ssettag $0x1  }
0x1: {  	s1 =	rddreg [dreg:$0x0]  }
0x2: {  	s6 =	rddreg [dreg:$0x1];
	s2 =	srdreg.scid  }
0x3: {  	s0 =	stileid.u32;
	s3 =	rddreg [dreg:$0x2]  }
0x4: {  	s4 =	simm.s32 $0x0;
	s13 =	simm.s32 $0x80;
	s14 =	simm.s32 $0x5000  }
0x5: {  	s15 =	simm.s32 $0x1;
	s5 =	sand.u32 $0x1, s2;
	s2 =	rddreg [dreg:$0x3]  }
0x6: {  	s7 =	sshll.u32 s0, $0x1;
	[smem:$0x7FF] =	sst s4;
	s10 =	smul.u32 $0x50000, s0  }
0x7: {  	s17 =	smul.u32 $0x2800, s0;
	s11 =	sshll.u32 s0, $0x6;
	s7 =	sor.u32 s5, s7  }
0x8: {  	_ =	strace $0x8000004D;
	s8 =	smul.u32 $0x28000, s5;
	s9 =	ssub.s32 $0x2, s5  }
0x9: {  	s5 =	sadd.s32 $0xC200, s6;
	s11 =	sor.u32 $0x1C02, s11;
	s7 =	smul.u32 $0x500, s7  }
0xa: {  	s31 =	sshrl.u32 s9, $0x1;
	s10 =	sshrl.u32 s10, $0x2;
	s8 =	sadd.s32 s8, s6  }
0xb: {  	s9 =	ssub.s32 s9, s31;
	s12 =	sadd.s32 s10, s3;
	s10 =	simm.s32 $0x2800  }
0xc: {  	s7 =	sadd.s32 s7, s6;
	s16 =	sadd.s32 $0x68A00, s8;
	s8 =	smax.u32 s9, $0x1  }
0xd: {  	s9 =	simm.s32 $0x2;
	s12 =	sshrl.u32 s12, $0x3;
	s6 =	sadd.s32 $0x5EA00, s7  }
0xe: {  	s7 =	sadd.s32 $0x2200, s7;
	s16 =	sadd.s32 s17, s16;
	s17 =	simm.s32 $0x0  }
.LBB2_1:
0xf: {  	[tilespmem:s4], [sflag:$0x2] =	stream.linear.gather [hbm4b:s6+s4], $0x2780, $0x38;
	[tilespmem:$0x1D000] =	vst v63  }
0x10: {  	_ =	swait.ge [sflag:s9], $0x2780  }
0x11: {  	[sflag:s9] =	ssyncset.done $0x0  }
0x12: {  	[sflag:s9] =	ssyncadd.s32 $0xFFFFD880  }
0x13: {  	[tilespmem:s10], [sflag:$0x2] =	stream.linear.gather [hbm4b:s7+s4], $0x2780, $0x38;
	[tilespmem:$0x1D000] =	vst v63  }
0x14: {  	_ =	swait.ge [sflag:s9], $0x2780  }
0x15: {  	[sflag:s9] =	ssyncset.done $0x0  }
0x16: {  	[sflag:s9] =	ssyncadd.s32 $0xFFFFD880  }
0x17: {  	[spmem:s12], [sflag:s11] =	dma.local [hbm:s5], $0x2800  }
0x18: {  	_ =	swait.ge [sflag:s9], $0x2800  }
0x19: {  	[sflag:s9] =	ssyncset.done $0x0  }
0x1a: {  	[sflag:s9] =	ssyncadd.s32 $0xFFFFD800  }
0x1b: {  	s18 =	simm.s32 $0x0;
	[bflag:$0x0] =	sbarrier.arrive $0xFFFF  }
0x1c: {  	[tilespmem:s14], [sflag:$0x1] =	stream.indirect.gather [hbm4b:s1+s13], $0x80, s18, s13, $0xb8;
	[tilespmem:$0x1D000] =	vst v63  }
0x1d: {  	_ =	swait.ge [sflag:s15], $0x4000  }
0x1e: {  	[sflag:s15] =	ssyncset.done $0x0  }
0x1f: {  	s31 =	simm.s32 $0x2800;
	[sflag:s15] =	ssyncadd.s32 $0xFFFFC000  }
0x20: {  	[spmem:s3] =	stream.indirect.scatter.add.f32 [tilespmem:s14], [sflag:$0x2], $0x80, s31, s13, $0xb8;
	[tilespmem:$0x1D000] =	vst v63  }
0x21: {  	_ =	swait.ge [sflag:s9], $0x4000  }
0x22: {  	s19 =	simm.s32 $0x400;
	s18 =	simm.s32 $0x200;
	[sflag:s9] =	ssyncset.done $0x0  }
.LBB2_2:
0x23: {  	s20 =	sshra.s32 s18, $0x2  }
0x24: {  	[sflag:s9] =	ssyncadd.s32 $0xFFFFC000;
	s18 =	smov.u32 s19;
	s21 =	sadd.s32 $0x200, s19  }
0x25: {  	[tilespmem:s14], [sflag:$0x1] =	stream.indirect.gather [hbm4b:s1+s13], $0x80, s20, s13, $0xb8;
	[tilespmem:$0x1D000] =	vst v63  }
0x26: {  	p0 =	sne.s32 s19, $0x9C00;
	_ =	swait.ge [sflag:s15], $0x4000  }
.Ltmp0:
0x27: {  	[sflag:s15] =	ssyncset.done $0x0;
	(pc) =	sbr.rel @p0 .LBB2_2-.Ltmp0, $4  }
0x28: {  	s19 =	sadd.s32 $0x2800, s20;
	[sflag:s15] =	ssyncadd.s32 $0xFFFFC000  }
0x29: {  	[spmem:s3] =	stream.indirect.scatter.add.f32 [tilespmem:s14], [sflag:$0x2], $0x80, s19, s13, $0xb8;
	[tilespmem:$0x1D000] =	vst v63  }
0x2a: {  	_ =	swait.ge [sflag:s9], $0x4000  }
0x2b: {  	s19 =	smov.u32 s21;
	[sflag:s9] =	ssyncset.done $0x0  }
0x2c: {  	s18 =	sshra.s32 s18, $0x2;
	[sflag:s9] =	ssyncadd.s32 $0xFFFFC000  }
0x2d: {  	[tilespmem:s14], [sflag:$0x1] =	stream.indirect.gather [hbm4b:s1+s13], $0x80, s18, s13, $0xb8;
	[tilespmem:$0x1D000] =	vst v63  }
0x2e: {  	_ =	swait.ge [sflag:s15], $0x4000  }
0x2f: {  	[sflag:s15] =	ssyncset.done $0x0  }
0x30: {  	s18 =	sadd.s32 $0x2800, s18;
	[sflag:s15] =	ssyncadd.s32 $0xFFFFC000  }
0x31: {  	[spmem:s3] =	stream.indirect.scatter.add.f32 [tilespmem:s14], [sflag:$0x2], $0x80, s18, s13, $0xb8;
	[tilespmem:$0x1D000] =	vst v63  }
0x32: {  	_ =	swait.ge [sflag:s9], $0x4000  }
0x33: {  	s17 =	sadd.s32 $0x1, s17;
	[sflag:s9] =	ssyncset.done $0x0  }
0x34: {  	p0 =	sne.s32 s17, s8;
	[sflag:s9] =	ssyncadd.s32 $0xFFFFC000  }
.Ltmp1:
0x35: {  	[bflag:$0x0] =	sbarrier.arrive $0xFFFF;
	(pc) =	sbr.rel @p0 .LBB2_1-.Ltmp1, $4  }
0x36: {  	[hbm:s16], [sflag:s11] =	dma.local [spmem:s12], $0x2800  }
0x37: {  	_ =	swait.ge [sflag:s9], $0x2800  }
0x38: {  	[sflag:s9] =	ssyncset.done $0x0  }
0x39: {  	[sflag:s9] =	ssyncadd.s32 $0xFFFFD800  }
0x3a: {  	_ =	sfence.sel $0x180000  }
0x3b: {  	[bflag:$0x0] =	sbarrier.arrive $0xFFFF  }
0x3c: {  	p0 =	sne.s32 s0, $0x0;
	_ =	strace $0x9000004D  }
0x3d: {  	s0 =	sadd.s32 @!p0 $0x100000, s2;
	[bflag:$0x2] =	sbarrier.arrive $0xFFFF  }
0x3e: {  	[sflag:s0] =	ssyncadd.tile.s32 @!p0 $0x1;
	_ =	shalt  }
.Lfunc_end2:
_tile_overlayer_lowered:
.L_overlay_start_2:
0x3f: {  	(tag) =	ssettag $0x2  }
0x40: {  	s0 =	rddreg [dreg:$0x0];
	s2 =	stileid.u32  }
0x41: {  	s1 =	rddreg [dreg:$0x1];
	p0 =	sne.s32 s2, $0x0  }
0x42: {  	s3 =	rddreg [dreg:$0x2];
	[bflag:$0x3] =	sbarrier.arrive $0xFFFF;
	s2 =	simm.s32 @!p0 $0x1C02  }
0x43: {  	[timem:s3], [sflag:s2] =	dma.local @!p0 [hbm:s0], s1  }
0x44: {  	s0 =	simm.s32 @!p0 $0x2  }
0x45: {  	_ =	swait.ge @!p0 [sflag:s0], s1  }
0x46: {  	s1 =	ssub.s32 @!p0 $0x0, s1;
	[sflag:s0] =	ssyncset.done @!p0 $0x0  }
0x47: {  	[sflag:s0] =	ssyncadd.s32 @!p0 s1  }
0x48: {  	[bflag:$0x3] =	sbarrier.arrive $0xFFFF  }
0x49: {  	_ =	shalt  }

// kernel: kernel.8.cloned.1.call-start
scs
__scs_entry_jumppad:
0x0: {  	(pc) =	sbr.rel $0x88, $3  }
0x1: {  	(tag) =	ssettag $0x0;
	lr =	simm.s32 $0x1  }
0x2: {  	[smem:$0x3F9B] =	sst lr;
	_ =	strace $0xD0000000  }
0x3: {  	_ = 	snop  }
0x4: {  	_ = 	snop  }
0x5: {  	_ = 	snop  }
0x6: {  	_ = 	snop  }
0x7: {  	_ = 	snop  }
__scs_overlays_trampoline_lowered:
0x8: {  	[smem:$0x3FAA] =	sst s0  }
0x9: {  	[smem:$0x3FAB] =	sst s1  }
0xa: {  	[smem:$0x3FAC] =	sst s2  }
0xb: {  	[smem:$0x3FAD] =	sst s3  }
0xc: {  	[smem:$0x3FAE] =	sst s4  }
0xd: {  	[smem:$0x3FAF] =	sst s5  }
0xe: {  	[smem:$0x3FB0] =	sst s6  }
0xf: {  	[smem:$0x3FB1] =	sst s7  }
0x10: {  	[smem:$0x3FB2] =	sst s8  }
0x11: {  	[smem:$0x3FB3] =	sst s9;
	s0 =	simm.s32 @!p0 $0x0  }
0x12: {  	s1 =	sld [smem:$0x3F99];
	s0 =	simm.s32 @p0 $0x1  }
0x13: {  	[smem:$0x3FB4] =	sst s0;
	s0 =	simm.s32 @!p1 $0x0  }
0x14: {  	s2 =	sld [smem:$0x3F98];
	s0 =	simm.s32 @p1 $0x1  }
0x15: {  	[smem:$0x3FB5] =	sst s0;
	s0 =	simm.s32 @!p2 $0x0  }
0x16: {  	s3 =	sld [smem:$0x3FDB];
	s0 =	simm.s32 @p2 $0x1  }
0x17: {  	s4 =	simm.s32 $0x1BF5;
	[smem:$0x3FB7] =	sst s0  }
0x18: {  	s0 =	sld [smem:$0x3F9A];
	_ =	swait.ge [sflag:s4], $0x0  }
0x19: {  	s7 =	sld [smem:$0x3F9B]  }
0x1a: {  	s8 =	sadd.s32 $0xFFFFE003, lr  }
0x1b: {  	s9 =	sadd.s32 $0xFFFFFEF7, lr;
	s5 =	simm.s32 $0xFFFFFFFF;
	p2 =	slt.u32 s8, $0xFFFFF086  }
0x1c: {  	p1 =	slt.u32 s9, $0xF7A;
	s5 =	simm.s32 @!p2 $0x0  }
0x1d: {  	s5 =	simm.s32 @p1 $0x1;
	p0 =	seq.s32 s7, s2  }
0x1e: {  	s7 =	smul.u32 @!p0 $0xF7A, s2;
	p2 =	seq.s32 @!p0 s5, $0x0  }
0x1f: {  	s9 =	smul.u32 $0xF7A, s1;
	s8 =	simm.s32 @!p0 $0x1BF5;
	p2 =	por !p2, p0  }
0x20: {  	[sflag:s8] =	ssyncset.s32 @!p0 $0xFFFFF086;
	s6 =	sadd.s32 @!p0 s3, s7;
	s7 =	simm.s32 @!p0 $0x108  }
0x21: {  	s3 =	sadd.s32 s3, s9;
	s6 =	sadd.s32 @!p0 $0x88, s6;
	s7 =	simm.s32 @p2 $0x1082  }
0x22: {  	[simem:s7], [sflag:s8] =	dma.local @!p0 [hbm:s6], $0xF7A  }
0x23: {  	s9 =	sor.u32 $0xD0000000, s2;
	s6 =	simm.s32 $0x108;
	_ =	swait.ge @!p0 [sflag:s8], $0x0  }
0x24: {  	s3 =	sadd.s32 $0x88, s3;
	s6 =	simm.s32 @!p1 $0x1082;
	[sflag:s4] =	ssyncset.s32 $0xFFFFF086  }
0x25: {  	[simem:s6], [sflag:s4] =	dma.local [hbm:s3], $0xF7A  }
0x26: {  	[smem:$0x3F9B] =	sst s1;
	(tag) =	ssettag s2;
	_ =	strace s9  }
0x27: {  	s1 =	sld [smem:$0x3FAB]  }
0x28: {  	s2 =	sld [smem:$0x3FAC]  }
0x29: {  	s4 =	sld [smem:$0x3FAE]  }
0x2a: {  	p0 =	seq.s32 s5, $0x0;
	s5 =	sld [smem:$0x3FAF]  }
0x2b: {  	s6 =	sld [smem:$0x3FB0]  }
0x2c: {  	s7 =	sld [smem:$0x3FB1]  }
0x2d: {  	s3 =	simm.s32 $0x108;
	s8 =	sld [smem:$0x3FB2]  }
0x2e: {  	s3 =	simm.s32 @!p0 $0x1082;
	s9 =	sld [smem:$0x3FB3]  }
0x2f: {  	lr =	sadd.s32 s0, s3;
	s0 =	sld [smem:$0x3FAA]  }
0x30: {  	s3 =	sld [smem:$0x3FAD]  }
0x31: {  	[smem:$0x3FB6] =	sst s10  }
0x32: {  	s10 =	sld [smem:$0x3FB4];
	_ =	sdelay $0x3  }
0x33: {  	p0 =	seq.s32 s10, $0x1;
	s10 =	sld [smem:$0x3FB6];
	_ =	sdelay $0x3  }
0x34: {  	[smem:$0x3FB6] =	sst s10  }
0x35: {  	s10 =	sld [smem:$0x3FB5];
	_ =	sdelay $0x3  }
0x36: {  	p1 =	seq.s32 s10, $0x1;
	s10 =	sld [smem:$0x3FB6];
	_ =	sdelay $0x3  }
0x37: {  	[smem:$0x3FB6] =	sst s10  }
0x38: {  	s10 =	sld [smem:$0x3FB7]  }
0x39: {  	_ = 	snop;
	(pc) =	sbr.ind lr, $3  }
0x3a: {  	_ = 	snop  }
0x3b: {  	_ = 	snop  }
0x3c: {  	p2 =	seq.s32 s10, $0x1;
	s10 =	sld [smem:$0x3FB6]  }
0x3d: {  	_ =	shalt  }
0x3e: {  	_ =	shalt  }
0x3f: {  	_ =	shalt  }
0x40: {  	_ =	shalt  }
0x41: {  	_ =	shalt  }
0x42: {  	_ =	shalt  }
0x43: {  	_ =	shalt  }
0x44: {  	_ =	shalt  }
0x45: {  	_ =	shalt  }
0x46: {  	_ =	shalt  }
0x47: {  	_ =	shalt  }
0x48: {  	_ =	shalt  }
0x49: {  	_ =	shalt  }
0x4a: {  	_ =	shalt  }
0x4b: {  	_ =	shalt  }
0x4c: {  	_ =	shalt  }
0x4d: {  	_ =	shalt  }
0x4e: {  	_ =	shalt  }
0x4f: {  	_ =	shalt  }
0x50: {  	_ =	shalt  }
0x51: {  	_ =	shalt  }
0x52: {  	_ =	shalt  }
0x53: {  	_ =	shalt  }
0x54: {  	_ =	shalt  }
0x55: {  	_ =	shalt  }
0x56: {  	_ =	shalt  }
0x57: {  	_ =	shalt  }
0x58: {  	_ =	shalt  }
0x59: {  	_ =	shalt  }
0x5a: {  	_ =	shalt  }
0x5b: {  	_ =	shalt  }
0x5c: {  	_ =	shalt  }
0x5d: {  	_ =	shalt  }
0x5e: {  	_ =	shalt  }
0x5f: {  	_ =	shalt  }
0x60: {  	_ =	shalt  }
0x61: {  	_ =	shalt  }
0x62: {  	_ =	shalt  }
0x63: {  	_ =	shalt  }
0x64: {  	_ =	shalt  }
0x65: {  	_ =	shalt  }
0x66: {  	_ =	shalt  }
0x67: {  	_ =	shalt  }
0x68: {  	_ =	shalt  }
0x69: {  	_ =	shalt  }
0x6a: {  	_ =	shalt  }
0x6b: {  	_ =	shalt  }
0x6c: {  	_ =	shalt  }
0x6d: {  	_ =	shalt  }
0x6e: {  	_ =	shalt  }
0x6f: {  	_ =	shalt  }
0x70: {  	_ =	shalt  }
0x71: {  	_ =	shalt  }
0x72: {  	_ =	shalt  }
0x73: {  	_ =	shalt  }
0x74: {  	_ =	shalt  }
0x75: {  	_ =	shalt  }
0x76: {  	_ =	shalt  }
0x77: {  	_ =	shalt  }
0x78: {  	_ =	shalt  }
0x79: {  	_ =	shalt  }
0x7a: {  	_ =	shalt  }
0x7b: {  	_ =	shalt  }
0x7c: {  	_ =	shalt  }
0x7d: {  	_ =	shalt  }
0x7e: {  	_ =	shalt  }
0x7f: {  	_ =	shalt  }
0x80: {  	_ =	shalt  }
0x81: {  	_ =	shalt  }
0x82: {  	_ =	shalt  }
0x83: {  	_ =	shalt  }
0x84: {  	_ =	shalt  }
0x85: {  	_ =	shalt  }
0x86: {  	_ =	shalt  }
0x87: {  	_ =	shalt  }
.Lfunc_end0:
.L_simem_size_0:
called_computation_lowered:
.L_overlay_start_0:
0x88: {  	s2 =	sld [smem:$0x3FD9]  }
0x89: {  	s3 =	sld [smem:$0x3FFE];
	_ =	sdelay $0x1  }
0x8a: {  	s1 =	srdreg.scid  }
0x8b: {  	s0 =	sand.u32 $0x1, s1  }
0x8c: {  	s17 =	sshll.u32 s0, $0xA;
	s2 =	sadd.s32 s3, s2  }
0x8d: {  	s2 =	sadd.s32 s2, s17  }
0x8e: {  	[smem:$0x3FC2] =	sst s2  }
0x8f: {  	_ = 	snop  }
0x90: {  	s2 =	sld [smem:$0x3FD0];
	(tm) =	ssettm $0x1  }
0x91: {  	s18 =	sld [smem:$0x3FFB];
	_ =	sdelay $0x3  }
0x92: {  	_ =	strace s18  }
0x93: {  	s3 =	sld [smem:$0x3FFC];
	_ =	sdelay $0x3  }
0x94: {  	_ =	strace s3  }
0x95: {  	s3 =	sld [smem:$0x3FFD];
	_ =	sdelay $0x3  }
0x96: {  	_ =	strace s3  }
0x97: {  	_ =	strace $0x8FFFFFFF  }
0x98: {  	s19 =	sld [smem:$0x3FDB];
	_ =	sdelay $0x1  }
0x99: {  	s4 =	simm.s32 $_scs_section_size  }
0x9a: {  	s5 =	simm.s32 $_size__tile_overlayer_lowered;
	s6 =	simm.s32 $_tile_overlayer_lowered  }
0x9b: {  	s22 =	simm.s32 $0x1BFF;
	s21 =	sshll.u32 s6, $0x1;
	s3 =	sadd.s32 s4, s19  }
0x9c: {  	s7 =	simm.s32 $0x0;
	s20 =	sshll.u32 s5, $0x1;
	s5 =	sadd.s32 s21, s3  }
0x9d: {  	[timem:s7], [sflag:s22] =	dma.local [hbm:s5], s20  }
0x9e: {  	_ =	swait.ge [sflag:s22], s20  }
0x9f: {  	s4 =	ssub.s32 $0x0, s20;
	[sflag:s22] =	ssyncset.done $0x0  }
0xa0: {  	[sflag:s22] =	ssyncadd.s32 s4;
	_ =	sdelay $0x1  }
0xa1: {  	s23 =	simm.s32 $0x1B8B  }
0xa2: {  	_ =	swait.ge [sflag:s23], $0x1  }
0xa3: {  	[sflag:s23] =	ssyncset.done $0x0  }
0xa4: {  	s25 =	simm.s32 $0x1B8E;
	s24 =	sld [smem:$0x3FFE];
	[sflag:s23] =	ssyncadd.s32 $0xFFFFFFFF  }
0xa5: {  	s26 =	simm.s32 $execute0_lowered;
	[smem:$0x3FD2] =	sst s25  }
0xa6: {  	s5 =	sshll.u32 s26, $0x1;
	_ =	strace $0x80000046;
	[dreg:$0x1] =	wrdreg $0xFFFFFFFF  }
0xa7: {  	s28 =	simm.s32 $_size_execute0_lowered;
	s3 =	sadd.s32 s3, s5;
	[dreg:$0x0] =	wrdreg $0x0  }
0xa8: {  	s5 =	sshll.u32 s28, $0x1;
	[dreg:$0x2] =	wrdreg s3  }
0xa9: {  	[dreg:$0x3] =	wrdreg s5  }
0xaa: {  	[dreg:$0x4] =	wrdreg $0xC0  }
0xab: {  	_ =	task [dreg:s7], $0x5FFFF  }
0xac: {  	[dreg:$0x1] =	wrdreg $0xFFFFFFFF  }
0xad: {  	[dreg:$0x0] =	wrdreg $0x60  }
0xae: {  	[dreg:$0x2] =	wrdreg s24  }
0xaf: {  	[dreg:$0x3] =	wrdreg s2  }
0xb0: {  	[dreg:$0x4] =	wrdreg $0x68000  }
0xb1: {  	[dreg:$0x5] =	wrdreg $0x9  }
0xb2: {  	_ =	task.clear_ibuf [dreg:s7], $0x6FFFF;
	_ =	strace $0x90000046  }
0xb3: {  	s29 =	simm.s32 $0x9;
	_ =	strace $0x80000048  }
0xb4: {  	_ =	swait.ge [sflag:s29], $0x1  }
0xb5: {  	[sflag:s29] =	ssyncadd.s32 $0xFFFFFFFF  }
0xb6: {  	_ =	strace $0x90000048  }
0xb7: {  	_ =	sfence  }
0xb8: {  	s30 =	sld [smem:$0x0];
	_ =	sdelay $0x2  }
0xb9: {  	s31 =	sshll.u32 s1, $0xD;
	s1 =	sshrl.u32 s1, $0x2  }
0xba: {  	s3 =	sand.u32 $0x4000, s31;
	s1 =	sadd.s32 s1, s30  }
0xbb: {  	s0 =	sor.u32 s3, s0;
	s1 =	sshll.u32 s1, $0x11  }
0xbc: {  	s0 =	sor.u32 s1, s0  }
0xbd: {  	s0 =	sadd.s32 $0x8F2B, s0  }
0xbe: {  	[sflag:s0] =	ssyncadd.remote.s32 $0x1  }
0xbf: {  	_ =	sfence.sel $0xFFFF  }
0xc0: {  	[dreg:$0x0] =	wrdreg $0xFFFFFFFF;
	(pc) =	sbr.abs _section_cstart, $3  }
0xc1: {  	[dreg:$0x1] =	wrdreg $0xFFFFFFFF  }
0xc2: {  	_ =	task.clear_ibuf [dreg:s7], $0x2FFFF;
	_ =	strace $0x9FFFFFFF  }
0xc3: {  	(tm) =	ssettm $0x7FFFFFFF  }
tec
execute0_lowered:
.L_overlay_start_1:
0x0: {  	(tag) =	ssettag $0x1  }
0x1: {  	s6 =	rddreg [dreg:$0x0]  }
0x2: {  	s2 =	rddreg [dreg:$0x1];
	s1 =	srdreg.scid  }
0x3: {  	s0 =	stileid.u32;
	s3 =	rddreg [dreg:$0x2]  }
0x4: {  	s4 =	simm.s32 $0x0;
	s12 =	simm.s32 $0x80;
	s5 =	sand.u32 $0x1, s1  }
0x5: {  	s7 =	sshll.u32 s0, $0x1;
	s1 =	rddreg [dreg:$0x3];
	s10 =	smul.u32 $0x50000, s0  }
0x6: {  	[smem:$0x7FF] =	sst s4;
	s14 =	smul.u32 $0x2800, s0;
	s31 =	sshll.u32 s0, $0x6  }
0x7: {  	s7 =	sor.u32 s5, s7;
	_ =	strace $0x80000047;
	s8 =	smul.u32 $0x28000, s5  }
0x8: {  	s9 =	ssub.s32 $0x2, s5;
	s5 =	sadd.s32 $0xC200, s6;
	s7 =	smul.u32 $0x500, s7  }
0x9: {  	s29 =	sshrl.u32 s9, $0x1;
	s30 =	sshrl.u32 s10, $0x2;
	s10 =	sor.u32 $0x1C01, s31  }
0xa: {  	s8 =	sadd.s32 s8, s6;
	s9 =	ssub.s32 s9, s29;
	s11 =	sadd.s32 s30, s3  }
0xb: {  	s7 =	sadd.s32 s7, s6;
	s13 =	sadd.s32 $0xEA00, s8;
	s8 =	simm.s32 $0x1  }
0xc: {  	s11 =	sshrl.u32 s11, $0x3;
	s6 =	sadd.s32 $0x2200, s7;
	s7 =	smax.u32 s9, $0x1  }
0xd: {  	s9 =	simm.s32 $0x2800;
	s13 =	sadd.s32 s14, s13;
	s14 =	simm.s32 $0x0  }
.LBB2_1:
0xe: {  	[tilespmem:s4], [sflag:$0x1] =	stream.linear.gather [hbm4b:s6+s4], $0x2780, $0x38;
	[tilespmem:$0x1A800] =	vst v63  }
0xf: {  	_ =	swait.ge [sflag:s8], $0x2780  }
0x10: {  	[sflag:s8] =	ssyncset.done $0x0  }
0x11: {  	[sflag:s8] =	ssyncadd.s32 $0xFFFFD880  }
0x12: {  	[tilespmem:s9], [sflag:$0x1] =	stream.linear.gather [hbm4b:s2+s4], $0x4000, $0x38;
	[tilespmem:$0x1A800] =	vst v63  }
0x13: {  	_ =	swait.ge [sflag:s8], $0x4000  }
0x14: {  	[sflag:s8] =	ssyncset.done $0x0  }
0x15: {  	[sflag:s8] =	ssyncadd.s32 $0xFFFFC000  }
0x16: {  	[spmem:s11], [sflag:s10] =	dma.local [hbm:s5], $0x2800  }
0x17: {  	_ =	swait.ge [sflag:s8], $0x2800  }
0x18: {  	[sflag:s8] =	ssyncset.done $0x0  }
0x19: {  	[sflag:s8] =	ssyncadd.s32 $0xFFFFD800  }
0x1a: {  	s15 =	simm.s32 $0x0;
	[bflag:$0x0] =	sbarrier.arrive $0xFFFF  }
0x1b: {  	[spmem:s3] =	stream.indirect.scatter.add.f32 [tilespmem:s9], [sflag:$0x1], $0x80, s15, s12, $0xb8;
	[tilespmem:$0x1A800] =	vst v63  }
0x1c: {  	_ =	swait.ge [sflag:s8], $0x4000  }
0x1d: {  	s15 =	simm.s32 $0x200;
	[sflag:s8] =	ssyncset.done $0x0  }
.LBB2_2:
0x1e: {  	s16 =	sshra.s32 s15, $0x2;
	[sflag:s8] =	ssyncadd.s32 $0xFFFFC000;
	p0 =	sne.s32 s15, $0x9C00  }
0x1f: {  	[spmem:s3] =	stream.indirect.scatter.add.f32 [tilespmem:s9], [sflag:$0x1], $0x80, s16, s12, $0xb8;
	[tilespmem:$0x1A800] =	vst v63  }
.Ltmp0:
0x20: {  	_ = 	snop;
	(pc) =	sbr.rel @p0 .LBB2_2-.Ltmp0, $4  }
0x21: {  	_ = 	snop  }
0x22: {  	s15 =	sadd.s32 $0x200, s15  }
0x23: {  	_ =	swait.ge [sflag:s8], $0x4000  }
0x24: {  	[sflag:s8] =	ssyncset.done $0x0  }
0x25: {  	s14 =	sadd.s32 $0x1, s14  }
0x26: {  	[sflag:s8] =	ssyncadd.s32 $0xFFFFC000;
	p0 =	sne.s32 s14, s7  }
.Ltmp1:
0x27: {  	[bflag:$0x0] =	sbarrier.arrive $0xFFFF;
	(pc) =	sbr.rel @p0 .LBB2_1-.Ltmp1, $4  }
0x28: {  	[hbm:s13], [sflag:s10] =	dma.local [spmem:s11], $0x2800  }
0x29: {  	_ =	swait.ge [sflag:s8], $0x2800  }
0x2a: {  	[sflag:s8] =	ssyncset.done $0x0  }
0x2b: {  	[sflag:s8] =	ssyncadd.s32 $0xFFFFD800  }
0x2c: {  	_ =	sfence.sel $0x180000  }
0x2d: {  	[bflag:$0x0] =	sbarrier.arrive $0xFFFF  }
0x2e: {  	p0 =	sne.s32 s0, $0x0;
	_ =	strace $0x90000047  }
0x2f: {  	s0 =	sadd.s32 @!p0 $0x100000, s1;
	[bflag:$0x2] =	sbarrier.arrive $0xFFFF  }
0x30: {  	[sflag:s0] =	ssyncadd.tile.s32 @!p0 $0x1;
	_ =	shalt  }
.Lfunc_end2:
_tile_overlayer_lowered:
.L_overlay_start_2:
0x31: {  	(tag) =	ssettag $0x2  }
0x32: {  	s0 =	rddreg [dreg:$0x0];
	s2 =	stileid.u32  }
0x33: {  	s1 =	rddreg [dreg:$0x1];
	p0 =	sne.s32 s2, $0x0  }
0x34: {  	s3 =	rddreg [dreg:$0x2];
	[bflag:$0x3] =	sbarrier.arrive $0xFFFF;
	s2 =	simm.s32 @!p0 $0x1C01  }
0x35: {  	[timem:s3], [sflag:s2] =	dma.local @!p0 [hbm:s0], s1  }
0x36: {  	s0 =	simm.s32 @!p0 $0x1  }
0x37: {  	_ =	swait.ge @!p0 [sflag:s0], s1  }
0x38: {  	s1 =	ssub.s32 @!p0 $0x0, s1;
	[sflag:s0] =	ssyncset.done @!p0 $0x0  }
0x39: {  	[sflag:s0] =	ssyncadd.s32 @!p0 s1  }
0x3a: {  	[bflag:$0x3] =	sbarrier.arrive $0xFFFF  }
0x3b: {  	_ =	shalt  }

</sc_bundles>
